<compile_context>
chip_gen: v7x
topology: tpu7x:2x2x1
jax: 0.10.2.dev20260603
libtpu: 0.0.44.dev20260713+nightly
codegen_flags: <defaults>
</compile_context>

<pallas_src>
import dataclasses
import functools

import jax
import jax.numpy as jnp
from jax import lax
from jax.experimental import pallas as pl
from jax.experimental.pallas import tpu as pltpu
from jax.experimental.pallas import tpu_sc as plsc

N_NODES = 50000
N_EDGES = 1600000
N_MAX = 8
L_MAX = 3
R_CUT = 5.0
BETA = (N_MAX / R_CUT) ** 2

NC = 2
NS = 16
NW = NC * NS
CHUNK = 2048
N_CHUNKS = 25
EPW = CHUNK * N_CHUNKS
E_PAD = EPW * NW
GSLICE = 128
NGATHER = CHUNK // GSLICE


def _sc_sqdist(pos16, pi, pj, sx, sy, sz):
    mesh = plsc.VectorSubcoreMesh(core_axis_name="c", subcore_axis_name="s")
    cp = pltpu.CompilerParams()
    for fld, val in (("needs_layout_passes", False),
                     ("use_tc_tiling_on_sc", False)):
        if fld in pltpu.CompilerParams.__dataclass_fields__:
            cp = dataclasses.replace(cp, **{fld: val})

    @functools.partial(
        pl.kernel,
        compiler_params=cp,
        out_type=jax.ShapeDtypeStruct((E_PAD,), jnp.float32),
        mesh=mesh,
        scratch_types=[
            pltpu.VMEM((NGATHER, GSLICE), jnp.int32),
            pltpu.VMEM((NGATHER, GSLICE), jnp.int32),
            pltpu.VMEM((CHUNK, 16), jnp.float32),
            pltpu.VMEM((CHUNK, 16), jnp.float32),
            pltpu.VMEM((CHUNK,), jnp.int32),
            pltpu.VMEM((CHUNK,), jnp.int32),
            pltpu.VMEM((CHUNK,), jnp.int32),
            pltpu.VMEM((CHUNK,), jnp.float32),
            pltpu.VMEM((1, 16), jnp.float32),
            pltpu.SemaphoreType.DMA,
            pltpu.SemaphoreType.DMA,
        ],
    )
    def body(pos_hbm, pi_hbm, pj_hbm, sx_hbm, sy_hbm, sz_hbm, out_hbm,
             idxi_v, idxj_v, rows_i, rows_j, sx_v, sy_v, sz_v, s_v, cell_v,
             sem, gsem):
        wid = lax.axis_index("s") * NC + lax.axis_index("c")
        base_w = wid * EPW

        pltpu.async_copy(pos_hbm.at[pl.ds(N_NODES, 1)], cell_v, sem).wait()

        lane = lax.broadcasted_iota(jnp.int32, (16,), 0)
        cell_row = cell_v[0, :]
        cm = [cell_row[k] for k in range(9)]

        @pl.loop(0, N_CHUNKS)
        def _chunk(k):
            base = base_w + k * CHUNK
            gbase = base // GSLICE
            cps = [
                pltpu.async_copy(pi_hbm.at[pl.ds(gbase, NGATHER)], idxi_v, sem),
                pltpu.async_copy(pj_hbm.at[pl.ds(gbase, NGATHER)], idxj_v, sem),
                pltpu.async_copy(sx_hbm.at[pl.ds(base, CHUNK)], sx_v, sem),
                pltpu.async_copy(sy_hbm.at[pl.ds(base, CHUNK)], sy_v, sem),
                pltpu.async_copy(sz_hbm.at[pl.ds(base, CHUNK)], sz_v, sem),
            ]
            for cpy in cps:
                cpy.wait()
            gs = []
            for g in range(NGATHER):
                sl = pl.ds(g * GSLICE, GSLICE)
                gs.append(pltpu.async_copy(
                    pos_hbm.at[idxi_v.at[g]], rows_i.at[sl], gsem))
                gs.append(pltpu.async_copy(
                    pos_hbm.at[idxj_v.at[g]], rows_j.at[sl], gsem))
            for cpy in gs:
                cpy.wait()

            @pl.loop(0, CHUNK // 16)
            def _grp(t):
                ridx = t * 16 + lane
                xi = plsc.load_gather(rows_i, [ridx, jnp.full((16,), 0, jnp.int32)])
                yi = plsc.load_gather(rows_i, [ridx, jnp.full((16,), 1, jnp.int32)])
                zi = plsc.load_gather(rows_i, [ridx, jnp.full((16,), 2, jnp.int32)])
                xj = plsc.load_gather(rows_j, [ridx, jnp.full((16,), 0, jnp.int32)])
                yj = plsc.load_gather(rows_j, [ridx, jnp.full((16,), 1, jnp.int32)])
                zj = plsc.load_gather(rows_j, [ridx, jnp.full((16,), 2, jnp.int32)])
                sl16 = pl.ds(t * 16, 16)
                sxf = sx_v[sl16].astype(jnp.float32)
                syf = sy_v[sl16].astype(jnp.float32)
                szf = sz_v[sl16].astype(jnp.float32)
                dx = (xj - xi) + (sxf * cm[0] + syf * cm[3] + szf * cm[6])
                dy = (yj - yi) + (sxf * cm[1] + syf * cm[4] + szf * cm[7])
                dz = (zj - zi) + (sxf * cm[2] + syf * cm[5] + szf * cm[8])
                s_v[sl16] = dx * dx + dy * dy + dz * dz

            pltpu.sync_copy(s_v, out_hbm.at[pl.ds(base, CHUNK)])

    return body(pos16, pi, pj, sx, sy, sz)


BE = 12800


def _tc_expand_body(s_ref, o_ref):
    s = s_ref[...]
    r = jnp.sqrt(s + 1e-12)
    fcut = jnp.where(
        r < R_CUT,
        0.5 * (jnp.cos(jnp.minimum(r, R_CUT) * jnp.float32(jnp.pi / R_CUT))
               + 1.0),
        0.0)
    rb = jnp.broadcast_to(r, (N_MAX, BE))
    fb = jnp.broadcast_to(fcut, (N_MAX, BE))
    mu = lax.broadcasted_iota(
        jnp.int32, (N_MAX, BE), 0).astype(jnp.float32) * jnp.float32(
            R_CUT / (N_MAX - 1))
    d = rb - mu
    g = jnp.exp(jnp.float32(-BETA) * d * d) * fb
    t = rb * jnp.float32(1.0 / R_CUT)
    o_ref[0, :, :] = g
    g1 = g * t
    o_ref[1, :, :] = g1
    g2 = g1 * t
    o_ref[2, :, :] = g2
    o_ref[3, :, :] = g2 * t


def _tc_expand(s2d):
    grid = N_EDGES // BE
    return pl.pallas_call(
        _tc_expand_body,
        grid=(grid,),
        in_specs=[pl.BlockSpec((1, BE), lambda i: (0, i))],
        out_specs=pl.BlockSpec((L_MAX + 1, N_MAX, BE), lambda i: (0, 0, i)),
        out_shape=jax.ShapeDtypeStruct((L_MAX + 1, N_MAX, N_EDGES),
                                       jnp.float32),
    )(s2d)


@jax.jit
def kernel(positions, cells, species, cell_shifts, centers, pairs,
           structure_centers, structure_pairs, structure_offsets):
    pos16 = jnp.zeros((N_NODES + 8, 16), jnp.float32)
    pos16 = pos16.at[:N_NODES, :3].set(positions)
    pos16 = pos16.at[N_NODES, :9].set(cells[0].reshape(9))
    pad = (0, E_PAD - N_EDGES)
    pi = jnp.pad(pairs[:, 0], pad).reshape(E_PAD // GSLICE, GSLICE)
    pj = jnp.pad(pairs[:, 1], pad).reshape(E_PAD // GSLICE, GSLICE)
    sx = jnp.pad(cell_shifts[:, 0], pad)
    sy = jnp.pad(cell_shifts[:, 1], pad)
    sz = jnp.pad(cell_shifts[:, 2], pad)

    s = _sc_sqdist(pos16, pi, pj, sx, sy, sz)
    out = _tc_expand(s.reshape(1, E_PAD))
    return jnp.transpose(out, (0, 2, 1))

# --- scband reference (transcript-rebuilt; emitter-appended) ---
"""Pipeline reference for scband-vector-expansion-23450521436918 (READ-ONLY COPY).

The authoritative reference and input builder live on the scoring server;
editing this copy changes nothing except your own understanding.
"""

import jax, jax.numpy as jnp
import numpy as np

N_NODES = 50000
N_EDGES = 1600000
N_STRUCT = 1
N_MAX = 8
L_MAX = 3
R_CUT = 5.0


def setup_inputs(seed: int = 0) -> dict:
    key = jax.random.key(seed)
    k1, k2, k3, k4, k5 = jax.random.split(key, 5)
    positions = jax.random.uniform(k1, (N_NODES, 3), dtype=jnp.float32) * 30.0
    cells = jnp.tile(jnp.eye(3, dtype=jnp.float32)[None] * 30.0, (N_STRUCT, 1, 1))
    species = jax.random.randint(k2, (N_NODES,), 0, 119, dtype=jnp.int32)
    cell_shifts = jax.random.randint(k3, (N_EDGES, 3), 0, 3, dtype=jnp.int32) - 1
    centers = jax.random.randint(k4, (N_EDGES,), 0, N_NODES, dtype=jnp.int32)
    pairs = jax.random.randint(k5, (N_EDGES, 2), 0, N_NODES, dtype=jnp.int32)
    structure_centers = jnp.zeros((N_EDGES,), dtype=jnp.int32)
    structure_pairs = jnp.zeros((N_EDGES,), dtype=jnp.int32)
    structure_offsets = jnp.zeros((N_STRUCT,), dtype=jnp.int32)
    return {
        'positions': positions,
        'cells': cells,
        'species': species,
        'cell_shifts': cell_shifts,
        'centers': centers,
        'pairs': pairs,
        'structure_centers': structure_centers,
        'structure_pairs': structure_pairs,
        'structure_offsets': structure_offsets,
    }


def _get_cartesian_vectors(positions, cells, cell_shifts, pairs, structure_pairs, structure_offsets):
    # gather global atom indices per edge
    off = structure_offsets[structure_pairs]
    p_i = positions[off + pairs[:, 0]]
    p_j = positions[off + pairs[:, 1]]
    # periodic image shift: cell_shifts @ cell_of_structure
    cells_e = cells[structure_pairs]
    shift = jnp.einsum('ec,ecd->ed', cell_shifts.astype(positions.dtype), cells_e)
    return p_j - p_i + shift


def _radial_basis(r):
    # Gaussian radial basis with smooth cosine cutoff; one block per angular channel l.
    mu = jnp.linspace(0.0, R_CUT, N_MAX, dtype=jnp.float32)
    beta = jnp.float32((N_MAX / R_CUT) ** 2)
    fcut = jnp.where(r < R_CUT, 0.5 * (jnp.cos(jnp.pi * jnp.minimum(r, R_CUT) / R_CUT) + 1.0), 0.0)
    g = jnp.exp(-beta * (r[:, None] - mu[None, :]) ** 2) * fcut[:, None]
    blocks = []
    for l in range(L_MAX + 1):
        rb = g * (r[:, None] / R_CUT) ** l
        blocks.append(rb)
    return jnp.stack(blocks)  # [L_MAX+1, E, N_MAX]


def reference(positions, cells, species, cell_shifts, centers, pairs, structure_centers, structure_pairs, structure_offsets):
    vec = _get_cartesian_vectors(positions, cells, cell_shifts, pairs, structure_pairs, structure_offsets)
    r = jnp.sqrt(jnp.sum(vec ** 2, axis=-1) + 1e-12)
    # vector expansion blocks stacked over l (all blocks share n_max)
    return _radial_basis(r)

if __name__ == "__main__":
    import jax
    _d = setup_inputs()
    print(jax.jit(kernel)(*tuple(_d.values())))

</pallas_src>

<mosaic_0001>
#map = affine_map<(d0, d1) -> (0, 0)>
#map1 = affine_map<(d0, d1) -> (0)>
module attributes {stable_mosaic.version = 14 : i64} {
  func.func @body(%arg0: i32, %arg1: i32, %arg2: memref<50008x16xf32, #tpu.memory_space<hbm>>, %arg3: memref<12800x128xi32, #tpu.memory_space<hbm>>, %arg4: memref<12800x128xi32, #tpu.memory_space<hbm>>, %arg5: memref<1638400xi32, #tpu.memory_space<hbm>>, %arg6: memref<1638400xi32, #tpu.memory_space<hbm>>, %arg7: memref<1638400xi32, #tpu.memory_space<hbm>>, %arg8: memref<1638400xf32, #tpu.memory_space<hbm>>, %arg9: memref<16x128xi32, #tpu.memory_space<vmem>>, %arg10: memref<16x128xi32, #tpu.memory_space<vmem>>, %arg11: memref<2048x16xf32, #tpu.memory_space<vmem>>, %arg12: memref<2048x16xf32, #tpu.memory_space<vmem>>, %arg13: memref<2048xi32, #tpu.memory_space<vmem>>, %arg14: memref<2048xi32, #tpu.memory_space<vmem>>, %arg15: memref<2048xi32, #tpu.memory_space<vmem>>, %arg16: memref<2048xf32, #tpu.memory_space<vmem>>, %arg17: memref<1x16xf32, #tpu.memory_space<vmem>>, %arg18: memref<!tpu.dma_semaphore, #tpu.memory_space<semaphore_mem>>, %arg19: memref<!tpu.dma_semaphore, #tpu.memory_space<semaphore_mem>>) attributes {dimension_semantics = [#tpu.dimension_semantics<core_parallel>, #tpu.dimension_semantics<subcore_parallel>], iteration_bounds = array<i64: 2, 16>, scalar_prefetch = 0 : i64, scratch_operands = 11 : i64, tpu.core_type = #tpu.core_type<sc_vector_subcore>, window_params = [{transform_indices = #map}, {transform_indices = #map}, {transform_indices = #map}, {transform_indices = #map1}, {transform_indices = #map1}, {transform_indices = #map1}, {transform_indices = #map1}]} {
    %mul3A = arith.constant 2 : i32
    %mul3A_0 = arith.muli %arg1, %mul3A : i32
    %add3A = arith.addi %mul3A_0, %arg0 : i32
    %mul3A_1 = arith.constant 51200 : i32
    %mul3A_2 = arith.muli %add3A, %mul3A_1 : i32
    %dma_start3A = arith.constant 50000 : i32
    %dma_start3A_3 = arith.constant 0 : i32
    %dma_start3A_4 = tpu.memref_slice %arg2[%dma_start3A, %dma_start3A_3] : memref<50008x16xf32, #tpu.memory_space<hbm>> -> memref<1x16xf32, #tpu.memory_space<hbm>>
    %dma_start3A_5 = arith.constant 50000 : i32
    %dma_start3A_6 = arith.constant 0 : i32
    %dma_start3A_7 = tpu.memref_slice %arg2[%dma_start3A_5, %dma_start3A_6] : memref<50008x16xf32, #tpu.memory_space<hbm>> -> memref<1x16xf32, #tpu.memory_space<hbm>>
    tpu.enqueue_dma source(%dma_start3A_7 : memref<1x16xf32, #tpu.memory_space<hbm>>) target(%arg17 : memref<1x16xf32, #tpu.memory_space<vmem>>) target_semaphore(%arg18 : memref<!tpu.dma_semaphore, #tpu.memory_space<semaphore_mem>>)
    %dma_wait3A = arith.constant 50000 : i32
    %dma_wait3A_8 = arith.constant 0 : i32
    %dma_wait3A_9 = tpu.memref_slice %arg2[%dma_wait3A, %dma_wait3A_8] : memref<50008x16xf32, #tpu.memory_space<hbm>> -> memref<1x16xf32, #tpu.memory_space<hbm>>
    %dma_wait3A_10 = arith.constant 50000 : i32
    %dma_wait3A_11 = arith.constant 0 : i32
    %dma_wait3A_12 = tpu.memref_slice %arg2[%dma_wait3A_10, %dma_wait3A_11] : memref<50008x16xf32, #tpu.memory_space<hbm>> -> memref<1x16xf32, #tpu.memory_space<hbm>>
    tpu.wait_dma2 semaphore(%arg18 : memref<!tpu.dma_semaphore, #tpu.memory_space<semaphore_mem>>) src(%dma_wait3A_12 : memref<1x16xf32, #tpu.memory_space<hbm>>) dst(%arg17 : memref<1x16xf32, #tpu.memory_space<vmem>>)
    %iota3A = tpu.iota {dimensions = array<i32: 0>} : vector<16xi32>
    %get3A = arith.constant 0 : i32
    %get3A_13 = arith.index_cast %get3A : i32 to index
    %get3A_14 = arith.constant 0 : index
    %get3A_15 = tpu.vector_load %arg17[%get3A_13, %get3A_14] {strides = array<i32>} : memref<1x16xf32, #tpu.memory_space<vmem>>, vector<16xf32>,
    %slice3A = vector.extract_strided_slice %get3A_15 {offsets = [0], sizes = [1], strides = [1]} : vector<16xf32> to vector<1xf32>
    %squeeze3A = vector.extract %slice3A[0] : f32 from vector<1xf32>
    %slice3A_16 = vector.extract_strided_slice %get3A_15 {offsets = [1], sizes = [1], strides = [1]} : vector<16xf32> to vector<1xf32>
    %squeeze3A_17 = vector.extract %slice3A_16[0] : f32 from vector<1xf32>
    %slice3A_18 = vector.extract_strided_slice %get3A_15 {offsets = [2], sizes = [1], strides = [1]} : vector<16xf32> to vector<1xf32>
    %squeeze3A_19 = vector.extract %slice3A_18[0] : f32 from vector<1xf32>
    %slice3A_20 = vector.extract_strided_slice %get3A_15 {offsets = [3], sizes = [1], strides = [1]} : vector<16xf32> to vector<1xf32>
    %squeeze3A_21 = vector.extract %slice3A_20[0] : f32 from vector<1xf32>
    %slice3A_22 = vector.extract_strided_slice %get3A_15 {offsets = [4], sizes = [1], strides = [1]} : vector<16xf32> to vector<1xf32>
    %squeeze3A_23 = vector.extract %slice3A_22[0] : f32 from vector<1xf32>
    %slice3A_24 = vector.extract_strided_slice %get3A_15 {offsets = [5], sizes = [1], strides = [1]} : vector<16xf32> to vector<1xf32>
    %squeeze3A_25 = vector.extract %slice3A_24[0] : f32 from vector<1xf32>
    %slice3A_26 = vector.extract_strided_slice %get3A_15 {offsets = [6], sizes = [1], strides = [1]} : vector<16xf32> to vector<1xf32>
    %squeeze3A_27 = vector.extract %slice3A_26[0] : f32 from vector<1xf32>
    %slice3A_28 = vector.extract_strided_slice %get3A_15 {offsets = [7], sizes = [1], strides = [1]} : vector<16xf32> to vector<1xf32>
    %squeeze3A_29 = vector.extract %slice3A_28[0] : f32 from vector<1xf32>
    %slice3A_30 = vector.extract_strided_slice %get3A_15 {offsets = [8], sizes = [1], strides = [1]} : vector<16xf32> to vector<1xf32>
    %squeeze3A_31 = vector.extract %slice3A_30[0] : f32 from vector<1xf32>
    %scan3A = arith.constant 0 : i32
    %scan3A_32 = arith.constant 25 : i32
    %scan3A_33 = arith.addi %scan3A, %scan3A_32 : i32
    %scan3A_34 = arith.constant 1 : i32
    scf.for %scan3A_36 = %scan3A to %scan3A_33 step %scan3A_34  : i32 {
      %mul3A_37 = arith.constant 1 : i32
      %mul3A_38 = arith.muli %scan3A_36, %mul3A_37 : i32
      %add3A_39 = arith.constant 0 : i32
      %add3A_40 = arith.addi %add3A_39, %mul3A_38 : i32
      %mul3A_41 = arith.constant 2048 : i32
      %mul3A_42 = arith.muli %add3A_40, %mul3A_41 : i32
      %add3A_43 = arith.addi %mul3A_2, %mul3A_42 : i32
      %jit3A = arith.constant 128 : i32
      %div3A = arith.divsi %add3A_43, %jit3A : i32
      %sign3A = arith.constant 0 : i32
      %sign3A_44 = arith.cmpi sgt, %add3A_43, %sign3A : i32
      %sign3A_45 = arith.extui %sign3A_44 : i1 to i32
      %sign3A_46 = arith.constant 0 : i32
      %sign3A_47 = arith.cmpi slt, %add3A_43, %sign3A_46 : i32
      %sign3A_48 = arith.extui %sign3A_47 : i1 to i32
      %sign3A_49 = arith.subi %sign3A_45, %sign3A_48 : i32
      %sign3A_50 = arith.constant 0 : i32
      %sign3A_51 = arith.cmpi sgt, %jit3A, %sign3A_50 : i32
      %sign3A_52 = arith.extui %sign3A_51 : i1 to i32
      %sign3A_53 = arith.constant 0 : i32
      %sign3A_54 = arith.cmpi slt, %jit3A, %sign3A_53 : i32
      %sign3A_55 = arith.extui %sign3A_54 : i1 to i32
      %sign3A_56 = arith.subi %sign3A_52, %sign3A_55 : i32
      %ne3A = arith.cmpi ne, %sign3A_49, %sign3A_56 : i32
      %rem3A = arith.remsi %add3A_43, %jit3A : i32
      %ne3A_57 = arith.constant 0 : i32
      %ne3A_58 = arith.cmpi ne, %rem3A, %ne3A_57 : i32
      %and3A = arith.andi %ne3A, %ne3A_58 : i1
      %sub3A = arith.constant 1 : i32
      %sub3A_59 = arith.subi %div3A, %sub3A : i32
      %select_n3A = arith.select %and3A, %sub3A_59, %div3A : i32
      %dma_start3A_60 = arith.constant 0 : i32
      %dma_start3A_61 = tpu.memref_slice %arg3[%select_n3A, %dma_start3A_60] : memref<12800x128xi32, #tpu.memory_space<hbm>> -> memref<16x128xi32, #tpu.memory_space<hbm>>
      %dma_start3A_62 = arith.constant 0 : i32
      %dma_start3A_63 = tpu.memref_slice %arg3[%select_n3A, %dma_start3A_62] : memref<12800x128xi32, #tpu.memory_space<hbm>> -> memref<16x128xi32, #tpu.memory_space<hbm>>
      tpu.enqueue_dma source(%dma_start3A_63 : memref<16x128xi32, #tpu.memory_space<hbm>>) target(%arg9 : memref<16x128xi32, #tpu.memory_space<vmem>>) target_semaphore(%arg18 : memref<!tpu.dma_semaphore, #tpu.memory_space<semaphore_mem>>)
      %dma_start3A_64 = arith.constant 0 : i32
      %dma_start3A_65 = tpu.memref_slice %arg4[%select_n3A, %dma_start3A_64] : memref<12800x128xi32, #tpu.memory_space<hbm>> -> memref<16x128xi32, #tpu.memory_space<hbm>>
      %dma_start3A_66 = arith.constant 0 : i32
      %dma_start3A_67 = tpu.memref_slice %arg4[%select_n3A, %dma_start3A_66] : memref<12800x128xi32, #tpu.memory_space<hbm>> -> memref<16x128xi32, #tpu.memory_space<hbm>>
      tpu.enqueue_dma source(%dma_start3A_67 : memref<16x128xi32, #tpu.memory_space<hbm>>) target(%arg10 : memref<16x128xi32, #tpu.memory_space<vmem>>) target_semaphore(%arg18 : memref<!tpu.dma_semaphore, #tpu.memory_space<semaphore_mem>>)
      %dma_start3A_68 = tpu.memref_slice %arg5[%add3A_43] : memref<1638400xi32, #tpu.memory_space<hbm>> -> memref<2048xi32, #tpu.memory_space<hbm>>
      %dma_start3A_69 = tpu.memref_slice %arg5[%add3A_43] : memref<1638400xi32, #tpu.memory_space<hbm>> -> memref<2048xi32, #tpu.memory_space<hbm>>
      tpu.enqueue_dma source(%dma_start3A_69 : memref<2048xi32, #tpu.memory_space<hbm>>) target(%arg13 : memref<2048xi32, #tpu.memory_space<vmem>>) target_semaphore(%arg18 : memref<!tpu.dma_semaphore, #tpu.memory_space<semaphore_mem>>)
      %dma_start3A_70 = tpu.memref_slice %arg6[%add3A_43] : memref<1638400xi32, #tpu.memory_space<hbm>> -> memref<2048xi32, #tpu.memory_space<hbm>>
      %dma_start3A_71 = tpu.memref_slice %arg6[%add3A_43] : memref<1638400xi32, #tpu.memory_space<hbm>> -> memref<2048xi32, #tpu.memory_space<hbm>>
      tpu.enqueue_dma source(%dma_start3A_71 : memref<2048xi32, #tpu.memory_space<hbm>>) target(%arg14 : memref<2048xi32, #tpu.memory_space<vmem>>) target_semaphore(%arg18 : memref<!tpu.dma_semaphore, #tpu.memory_space<semaphore_mem>>)
      %dma_start3A_72 = tpu.memref_slice %arg7[%add3A_43] : memref<1638400xi32, #tpu.memory_space<hbm>> -> memref<2048xi32, #tpu.memory_space<hbm>>
      %dma_start3A_73 = tpu.memref_slice %arg7[%add3A_43] : memref<1638400xi32, #tpu.memory_space<hbm>> -> memref<2048xi32, #tpu.memory_space<hbm>>
      tpu.enqueue_dma source(%dma_start3A_73 : memref<2048xi32, #tpu.memory_space<hbm>>) target(%arg15 : memref<2048xi32, #tpu.memory_space<vmem>>) target_semaphore(%arg18 : memref<!tpu.dma_semaphore, #tpu.memory_space<semaphore_mem>>)
      %dma_wait3A_74 = arith.constant 0 : i32
      %dma_wait3A_75 = tpu.memref_slice %arg3[%select_n3A, %dma_wait3A_74] : memref<12800x128xi32, #tpu.memory_space<hbm>> -> memref<16x128xi32, #tpu.memory_space<hbm>>
      %dma_wait3A_76 = arith.constant 0 : i32
      %dma_wait3A_77 = tpu.memref_slice %arg3[%select_n3A, %dma_wait3A_76] : memref<12800x128xi32, #tpu.memory_space<hbm>> -> memref<16x128xi32, #tpu.memory_space<hbm>>
      tpu.wait_dma2 semaphore(%arg18 : memref<!tpu.dma_semaphore, #tpu.memory_space<semaphore_mem>>) src(%dma_wait3A_77 : memref<16x128xi32, #tpu.memory_space<hbm>>) dst(%arg9 : memref<16x128xi32, #tpu.memory_space<vmem>>)
      %dma_wait3A_78 = arith.constant 0 : i32
      %dma_wait3A_79 = tpu.memref_slice %arg4[%select_n3A, %dma_wait3A_78] : memref<12800x128xi32, #tpu.memory_space<hbm>> -> memref<16x128xi32, #tpu.memory_space<hbm>>
      %dma_wait3A_80 = arith.constant 0 : i32
      %dma_wait3A_81 = tpu.memref_slice %arg4[%select_n3A, %dma_wait3A_80] : memref<12800x128xi32, #tpu.memory_space<hbm>> -> memref<16x128xi32, #tpu.memory_space<hbm>>
      tpu.wait_dma2 semaphore(%arg18 : memref<!tpu.dma_semaphore, #tpu.memory_space<semaphore_mem>>) src(%dma_wait3A_81 : memref<16x128xi32, #tpu.memory_space<hbm>>) dst(%arg10 : memref<16x128xi32, #tpu.memory_space<vmem>>)
      %dma_wait3A_82 = tpu.memref_slice %arg5[%add3A_43] : memref<1638400xi32, #tpu.memory_space<hbm>> -> memref<2048xi32, #tpu.memory_space<hbm>>
      %dma_wait3A_83 = tpu.memref_slice %arg5[%add3A_43] : memref<1638400xi32, #tpu.memory_space<hbm>> -> memref<2048xi32, #tpu.memory_space<hbm>>
      tpu.wait_dma2 semaphore(%arg18 : memref<!tpu.dma_semaphore, #tpu.memory_space<semaphore_mem>>) src(%dma_wait3A_83 : memref<2048xi32, #tpu.memory_space<hbm>>) dst(%arg13 : memref<2048xi32, #tpu.memory_space<vmem>>)
      %dma_wait3A_84 = tpu.memref_slice %arg6[%add3A_43] : memref<1638400xi32, #tpu.memory_space<hbm>> -> memref<2048xi32, #tpu.memory_space<hbm>>
      %dma_wait3A_85 = tpu.memref_slice %arg6[%add3A_43] : memref<1638400xi32, #tpu.memory_space<hbm>> -> memref<2048xi32, #tpu.memory_space<hbm>>
      tpu.wait_dma2 semaphore(%arg18 : memref<!tpu.dma_semaphore, #tpu.memory_space<semaphore_mem>>) src(%dma_wait3A_85 : memref<2048xi32, #tpu.memory_space<hbm>>) dst(%arg14 : memref<2048xi32, #tpu.memory_space<vmem>>)
      %dma_wait3A_86 = tpu.memref_slice %arg7[%add3A_43] : memref<1638400xi32, #tpu.memory_space<hbm>> -> memref<2048xi32, #tpu.memory_space<hbm>>
      %dma_wait3A_87 = tpu.memref_slice %arg7[%add3A_43] : memref<1638400xi32, #tpu.memory_space<hbm>> -> memref<2048xi32, #tpu.memory_space<hbm>>
      tpu.wait_dma2 semaphore(%arg18 : memref<!tpu.dma_semaphore, #tpu.memory_space<semaphore_mem>>) src(%dma_wait3A_87 : memref<2048xi32, #tpu.memory_space<hbm>>) dst(%arg15 : memref<2048xi32, #tpu.memory_space<vmem>>)
      %dma_start3A_88 = arith.constant 0 : i32
      %dma_start3A_89 = arith.constant 0 : i32
      %dma_start3A_90 = arith.constant 0 : i32
      %dma_start3A_91 = tpu.memref_slice %arg11[%dma_start3A_89, %dma_start3A_90] : memref<2048x16xf32, #tpu.memory_space<vmem>> -> memref<128x16xf32, #tpu.memory_space<vmem>>
      %dma_start3A_92 = arith.constant 0 : i32
      %dma_start3A_93 = tpu.memref_slice %arg9[%dma_start3A_88, %dma_start3A_92] : memref<16x128xi32, #tpu.memory_space<vmem>> -> memref<1x128xi32, #tpu.memory_space<vmem>>
      %dma_start3A_94 = tpu.memref_squeeze %dma_start3A_93 : memref<1x128xi32, #tpu.memory_space<vmem>> -> memref<128xi32, #tpu.memory_space<vmem>>
      %dma_start3A_95 = arith.constant 0 : i32
      %dma_start3A_96 = arith.constant 0 : i32
      %dma_start3A_97 = tpu.memref_slice %arg2[%dma_start3A_95, %dma_start3A_96] : memref<50008x16xf32, #tpu.memory_space<hbm>> -> memref<50008x16xf32, #tpu.memory_space<hbm>>
      tpu.enqueue_indirect_dma source(%dma_start3A_97 : memref<50008x16xf32, #tpu.memory_space<hbm>>) target(%dma_start3A_91 : memref<128x16xf32, #tpu.memory_space<vmem>>) offsets(%dma_start3A_94 : memref<128xi32, #tpu.memory_space<vmem>>) semaphore(%arg19 : memref<!tpu.dma_semaphore, #tpu.memory_space<semaphore_mem>>)
      %dma_start3A_98 = arith.constant 0 : i32
      %dma_start3A_99 = arith.constant 0 : i32
      %dma_start3A_100 = arith.constant 0 : i32
      %dma_start3A_101 = tpu.memref_slice %arg12[%dma_start3A_99, %dma_start3A_100] : memref<2048x16xf32, #tpu.memory_space<vmem>> -> memref<128x16xf32, #tpu.memory_space<vmem>>
      %dma_start3A_102 = arith.constant 0 : i32
      %dma_start3A_103 = tpu.memref_slice %arg10[%dma_start3A_98, %dma_start3A_102] : memref<16x128xi32, #tpu.memory_space<vmem>> -> memref<1x128xi32, #tpu.memory_space<vmem>>
      %dma_start3A_104 = tpu.memref_squeeze %dma_start3A_103 : memref<1x128xi32, #tpu.memory_space<vmem>> -> memref<128xi32, #tpu.memory_space<vmem>>
      %dma_start3A_105 = arith.constant 0 : i32
      %dma_start3A_106 = arith.constant 0 : i32
      %dma_start3A_107 = tpu.memref_slice %arg2[%dma_start3A_105, %dma_start3A_106] : memref<50008x16xf32, #tpu.memory_space<hbm>> -> memref<50008x16xf32, #tpu.memory_space<hbm>>
      tpu.enqueue_indirect_dma source(%dma_start3A_107 : memref<50008x16xf32, #tpu.memory_space<hbm>>) target(%dma_start3A_101 : memref<128x16xf32, #tpu.memory_space<vmem>>) offsets(%dma_start3A_104 : memref<128xi32, #tpu.memory_space<vmem>>) semaphore(%arg19 : memref<!tpu.dma_semaphore, #tpu.memory_space<semaphore_mem>>)
      %dma_start3A_108 = arith.constant 1 : i32
      %dma_start3A_109 = arith.constant 128 : i32
      %dma_start3A_110 = arith.constant 0 : i32
      %dma_start3A_111 = tpu.memref_slice %arg11[%dma_start3A_109, %dma_start3A_110] : memref<2048x16xf32, #tpu.memory_space<vmem>> -> memref<128x16xf32, #tpu.memory_space<vmem>>
      %dma_start3A_112 = arith.constant 0 : i32
      %dma_start3A_113 = tpu.memref_slice %arg9[%dma_start3A_108, %dma_start3A_112] : memref<16x128xi32, #tpu.memory_space<vmem>> -> memref<1x128xi32, #tpu.memory_space<vmem>>
      %dma_start3A_114 = tpu.memref_squeeze %dma_start3A_113 : memref<1x128xi32, #tpu.memory_space<vmem>> -> memref<128xi32, #tpu.memory_space<vmem>>
      %dma_start3A_115 = arith.constant 0 : i32
      %dma_start3A_116 = arith.constant 0 : i32
      %dma_start3A_117 = tpu.memref_slice %arg2[%dma_start3A_115, %dma_start3A_116] : memref<50008x16xf32, #tpu.memory_space<hbm>> -> memref<50008x16xf32, #tpu.memory_space<hbm>>
      tpu.enqueue_indirect_dma source(%dma_start3A_117 : memref<50008x16xf32, #tpu.memory_space<hbm>>) target(%dma_start3A_111 : memref<128x16xf32, #tpu.memory_space<vmem>>) offsets(%dma_start3A_114 : memref<128xi32, #tpu.memory_space<vmem>>) semaphore(%arg19 : memref<!tpu.dma_semaphore, #tpu.memory_space<semaphore_mem>>)
      %dma_start3A_118 = arith.constant 1 : i32
      %dma_start3A_119 = arith.constant 128 : i32
      %dma_start3A_120 = arith.constant 0 : i32
      %dma_start3A_121 = tpu.memref_slice %arg12[%dma_start3A_119, %dma_start3A_120] : memref<2048x16xf32, #tpu.memory_space<vmem>> -> memref<128x16xf32, #tpu.memory_space<vmem>>
      %dma_start3A_122 = arith.constant 0 : i32
      %dma_start3A_123 = tpu.memref_slice %arg10[%dma_start3A_118, %dma_start3A_122] : memref<16x128xi32, #tpu.memory_space<vmem>> -> memref<1x128xi32, #tpu.memory_space<vmem>>
      %dma_start3A_124 = tpu.memref_squeeze %dma_start3A_123 : memref<1x128xi32, #tpu.memory_space<vmem>> -> memref<128xi32, #tpu.memory_space<vmem>>
      %dma_start3A_125 = arith.constant 0 : i32
      %dma_start3A_126 = arith.constant 0 : i32
      %dma_start3A_127 = tpu.memref_slice %arg2[%dma_start3A_125, %dma_start3A_126] : memref<50008x16xf32, #tpu.memory_space<hbm>> -> memref<50008x16xf32, #tpu.memory_space<hbm>>
      tpu.enqueue_indirect_dma source(%dma_start3A_127 : memref<50008x16xf32, #tpu.memory_space<hbm>>) target(%dma_start3A_121 : memref<128x16xf32, #tpu.memory_space<vmem>>) offsets(%dma_start3A_124 : memref<128xi32, #tpu.memory_space<vmem>>) semaphore(%arg19 : memref<!tpu.dma_semaphore, #tpu.memory_space<semaphore_mem>>)
      %dma_start3A_128 = arith.constant 2 : i32
      %dma_start3A_129 = arith.constant 256 : i32
      %dma_start3A_130 = arith.constant 0 : i32
      %dma_start3A_131 = tpu.memref_slice %arg11[%dma_start3A_129, %dma_start3A_130] : memref<2048x16xf32, #tpu.memory_space<vmem>> -> memref<128x16xf32, #tpu.memory_space<vmem>>
      %dma_start3A_132 = arith.constant 0 : i32
      %dma_start3A_133 = tpu.memref_slice %arg9[%dma_start3A_128, %dma_start3A_132] : memref<16x128xi32, #tpu.memory_space<vmem>> -> memref<1x128xi32, #tpu.memory_space<vmem>>
      %dma_start3A_134 = tpu.memref_squeeze %dma_start3A_133 : memref<1x128xi32, #tpu.memory_space<vmem>> -> memref<128xi32, #tpu.memory_space<vmem>>
      %dma_start3A_135 = arith.constant 0 : i32
      %dma_start3A_136 = arith.constant 0 : i32
      %dma_start3A_137 = tpu.memref_slice %arg2[%dma_start3A_135, %dma_start3A_136] : memref<50008x16xf32, #tpu.memory_space<hbm>> -> memref<50008x16xf32, #tpu.memory_space<hbm>>
      tpu.enqueue_indirect_dma source(%dma_start3A_137 : memref<50008x16xf32, #tpu.memory_space<hbm>>) target(%dma_start3A_131 : memref<128x16xf32, #tpu.memory_space<vmem>>) offsets(%dma_start3A_134 : memref<128xi32, #tpu.memory_space<vmem>>) semaphore(%arg19 : memref<!tpu.dma_semaphore, #tpu.memory_space<semaphore_mem>>)
      %dma_start3A_138 = arith.constant 2 : i32
      %dma_start3A_139 = arith.constant 256 : i32
      %dma_start3A_140 = arith.constant 0 : i32
      %dma_start3A_141 = tpu.memref_slice %arg12[%dma_start3A_139, %dma_start3A_140] : memref<2048x16xf32, #tpu.memory_space<vmem>> -> memref<128x16xf32, #tpu.memory_space<vmem>>
      %dma_start3A_142 = arith.constant 0 : i32
      %dma_start3A_143 = tpu.memref_slice %arg10[%dma_start3A_138, %dma_start3A_142] : memref<16x128xi32, #tpu.memory_space<vmem>> -> memref<1x128xi32, #tpu.memory_space<vmem>>
      %dma_start3A_144 = tpu.memref_squeeze %dma_start3A_143 : memref<1x128xi32, #tpu.memory_space<vmem>> -> memref<128xi32, #tpu.memory_space<vmem>>
      %dma_start3A_145 = arith.constant 0 : i32
      %dma_start3A_146 = arith.constant 0 : i32
      %dma_start3A_147 = tpu.memref_slice %arg2[%dma_start3A_145, %dma_start3A_146] : memref<50008x16xf32, #tpu.memory_space<hbm>> -> memref<50008x16xf32, #tpu.memory_space<hbm>>
      tpu.enqueue_indirect_dma source(%dma_start3A_147 : memref<50008x16xf32, #tpu.memory_space<hbm>>) target(%dma_start3A_141 : memref<128x16xf32, #tpu.memory_space<vmem>>) offsets(%dma_start3A_144 : memref<128xi32, #tpu.memory_space<vmem>>) semaphore(%arg19 : memref<!tpu.dma_semaphore, #tpu.memory_space<semaphore_mem>>)
      %dma_start3A_148 = arith.constant 3 : i32
      %dma_start3A_149 = arith.constant 384 : i32
      %dma_start3A_150 = arith.constant 0 : i32
      %dma_start3A_151 = tpu.memref_slice %arg11[%dma_start3A_149, %dma_start3A_150] : memref<2048x16xf32, #tpu.memory_space<vmem>> -> memref<128x16xf32, #tpu.memory_space<vmem>>
      %dma_start3A_152 = arith.constant 0 : i32
      %dma_start3A_153 = tpu.memref_slice %arg9[%dma_start3A_148, %dma_start3A_152] : memref<16x128xi32, #tpu.memory_space<vmem>> -> memref<1x128xi32, #tpu.memory_space<vmem>>
      %dma_start3A_154 = tpu.memref_squeeze %dma_start3A_153 : memref<1x128xi32, #tpu.memory_space<vmem>> -> memref<128xi32, #tpu.memory_space<vmem>>
      %dma_start3A_155 = arith.constant 0 : i32
      %dma_start3A_156 = arith.constant 0 : i32
      %dma_start3A_157 = tpu.memref_slice %arg2[%dma_start3A_155, %dma_start3A_156] : memref<50008x16xf32, #tpu.memory_space<hbm>> -> memref<50008x16xf32, #tpu.memory_space<hbm>>
      tpu.enqueue_indirect_dma source(%dma_start3A_157 : memref<50008x16xf32, #tpu.memory_space<hbm>>) target(%dma_start3A_151 : memref<128x16xf32, #tpu.memory_space<vmem>>) offsets(%dma_start3A_154 : memref<128xi32, #tpu.memory_space<vmem>>) semaphore(%arg19 : memref<!tpu.dma_semaphore, #tpu.memory_space<semaphore_mem>>)
      %dma_start3A_158 = arith.constant 3 : i32
      %dma_start3A_159 = arith.constant 384 : i32
      %dma_start3A_160 = arith.constant 0 : i32
      %dma_start3A_161 = tpu.memref_slice %arg12[%dma_start3A_159, %dma_start3A_160] : memref<2048x16xf32, #tpu.memory_space<vmem>> -> memref<128x16xf32, #tpu.memory_space<vmem>>
      %dma_start3A_162 = arith.constant 0 : i32
      %dma_start3A_163 = tpu.memref_slice %arg10[%dma_start3A_158, %dma_start3A_162] : memref<16x128xi32, #tpu.memory_space<vmem>> -> memref<1x128xi32, #tpu.memory_space<vmem>>
      %dma_start3A_164 = tpu.memref_squeeze %dma_start3A_163 : memref<1x128xi32, #tpu.memory_space<vmem>> -> memref<128xi32, #tpu.memory_space<vmem>>
      %dma_start3A_165 = arith.constant 0 : i32
      %dma_start3A_166 = arith.constant 0 : i32
      %dma_start3A_167 = tpu.memref_slice %arg2[%dma_start3A_165, %dma_start3A_166] : memref<50008x16xf32, #tpu.memory_space<hbm>> -> memref<50008x16xf32, #tpu.memory_space<hbm>>
      tpu.enqueue_indirect_dma source(%dma_start3A_167 : memref<50008x16xf32, #tpu.memory_space<hbm>>) target(%dma_start3A_161 : memref<128x16xf32, #tpu.memory_space<vmem>>) offsets(%dma_start3A_164 : memref<128xi32, #tpu.memory_space<vmem>>) semaphore(%arg19 : memref<!tpu.dma_semaphore, #tpu.memory_space<semaphore_mem>>)
      %dma_start3A_168 = arith.constant 4 : i32
      %dma_start3A_169 = arith.constant 512 : i32
      %dma_start3A_170 = arith.constant 0 : i32
      %dma_start3A_171 = tpu.memref_slice %arg11[%dma_start3A_169, %dma_start3A_170] : memref<2048x16xf32, #tpu.memory_space<vmem>> -> memref<128x16xf32, #tpu.memory_space<vmem>>
      %dma_start3A_172 = arith.constant 0 : i32
      %dma_start3A_173 = tpu.memref_slice %arg9[%dma_start3A_168, %dma_start3A_172] : memref<16x128xi32, #tpu.memory_space<vmem>> -> memref<1x128xi32, #tpu.memory_space<vmem>>
      %dma_start3A_174 = tpu.memref_squeeze %dma_start3A_173 : memref<1x128xi32, #tpu.memory_space<vmem>> -> memref<128xi32, #tpu.memory_space<vmem>>
      %dma_start3A_175 = arith.constant 0 : i32
      %dma_start3A_176 = arith.constant 0 : i32
      %dma_start3A_177 = tpu.memref_slice %arg2[%dma_start3A_175, %dma_start3A_176] : memref<50008x16xf32, #tpu.memory_space<hbm>> -> memref<50008x16xf32, #tpu.memory_space<hbm>>
      tpu.enqueue_indirect_dma source(%dma_start3A_177 : memref<50008x16xf32, #tpu.memory_space<hbm>>) target(%dma_start3A_171 : memref<128x16xf32, #tpu.memory_space<vmem>>) offsets(%dma_start3A_174 : memref<128xi32, #tpu.memory_space<vmem>>) semaphore(%arg19 : memref<!tpu.dma_semaphore, #tpu.memory_space<semaphore_mem>>)
      %dma_start3A_178 = arith.constant 4 : i32
      %dma_start3A_179 = arith.constant 512 : i32
      %dma_start3A_180 = arith.constant 0 : i32
      %dma_start3A_181 = tpu.memref_slice %arg12[%dma_start3A_179, %dma_start3A_180] : memref<2048x16xf32, #tpu.memory_space<vmem>> -> memref<128x16xf32, #tpu.memory_space<vmem>>
      %dma_start3A_182 = arith.constant 0 : i32
      %dma_start3A_183 = tpu.memref_slice %arg10[%dma_start3A_178, %dma_start3A_182] : memref<16x128xi32, #tpu.memory_space<vmem>> -> memref<1x128xi32, #tpu.memory_space<vmem>>
      %dma_start3A_184 = tpu.memref_squeeze %dma_start3A_183 : memref<1x128xi32, #tpu.memory_space<vmem>> -> memref<128xi32, #tpu.memory_space<vmem>>
      %dma_start3A_185 = arith.constant 0 : i32
      %dma_start3A_186 = arith.constant 0 : i32
      %dma_start3A_187 = tpu.memref_slice %arg2[%dma_start3A_185, %dma_start3A_186] : memref<50008x16xf32, #tpu.memory_space<hbm>> -> memref<50008x16xf32, #tpu.memory_space<hbm>>
      tpu.enqueue_indirect_dma source(%dma_start3A_187 : memref<50008x16xf32, #tpu.memory_space<hbm>>) target(%dma_start3A_181 : memref<128x16xf32, #tpu.memory_space<vmem>>) offsets(%dma_start3A_184 : memref<128xi32, #tpu.memory_space<vmem>>) semaphore(%arg19 : memref<!tpu.dma_semaphore, #tpu.memory_space<semaphore_mem>>)
      %dma_start3A_188 = arith.constant 5 : i32
      %dma_start3A_189 = arith.constant 640 : i32
      %dma_start3A_190 = arith.constant 0 : i32
      %dma_start3A_191 = tpu.memref_slice %arg11[%dma_start3A_189, %dma_start3A_190] : memref<2048x16xf32, #tpu.memory_space<vmem>> -> memref<128x16xf32, #tpu.memory_space<vmem>>
      %dma_start3A_192 = arith.constant 0 : i32
      %dma_start3A_193 = tpu.memref_slice %arg9[%dma_start3A_188, %dma_start3A_192] : memref<16x128xi32, #tpu.memory_space<vmem>> -> memref<1x128xi32, #tpu.memory_space<vmem>>
      %dma_start3A_194 = tpu.memref_squeeze %dma_start3A_193 : memref<1x128xi32, #tpu.memory_space<vmem>> -> memref<128xi32, #tpu.memory_space<vmem>>
      %dma_start3A_195 = arith.constant 0 : i32
      %dma_start3A_196 = arith.constant 0 : i32
      %dma_start3A_197 = tpu.memref_slice %arg2[%dma_start3A_195, %dma_start3A_196] : memref<50008x16xf32, #tpu.memory_space<hbm>> -> memref<50008x16xf32, #tpu.memory_space<hbm>>
      tpu.enqueue_indirect_dma source(%dma_start3A_197 : memref<50008x16xf32, #tpu.memory_space<hbm>>) target(%dma_start3A_191 : memref<128x16xf32, #tpu.memory_space<vmem>>) offsets(%dma_start3A_194 : memref<128xi32, #tpu.memory_space<vmem>>) semaphore(%arg19 : memref<!tpu.dma_semaphore, #tpu.memory_space<semaphore_mem>>)
      %dma_start3A_198 = arith.constant 5 : i32
      %dma_start3A_199 = arith.constant 640 : i32
      %dma_start3A_200 = arith.constant 0 : i32
      %dma_start3A_201 = tpu.memref_slice %arg12[%dma_start3A_199, %dma_start3A_200] : memref<2048x16xf32, #tpu.memory_space<vmem>> -> memref<128x16xf32, #tpu.memory_space<vmem>>
      %dma_start3A_202 = arith.constant 0 : i32
      %dma_start3A_203 = tpu.memref_slice %arg10[%dma_start3A_198, %dma_start3A_202] : memref<16x128xi32, #tpu.memory_space<vmem>> -> memref<1x128xi32, #tpu.memory_space<vmem>>
      %dma_start3A_204 = tpu.memref_squeeze %dma_start3A_203 : memref<1x128xi32, #tpu.memory_space<vmem>> -> memref<128xi32, #tpu.memory_space<vmem>>
      %dma_start3A_205 = arith.constant 0 : i32
      %dma_start3A_206 = arith.constant 0 : i32
      %dma_start3A_207 = tpu.memref_slice %arg2[%dma_start3A_205, %dma_start3A_206] : memref<50008x16xf32, #tpu.memory_space<hbm>> -> memref<50008x16xf32, #tpu.memory_space<hbm>>
      tpu.enqueue_indirect_dma source(%dma_start3A_207 : memref<50008x16xf32, #tpu.memory_space<hbm>>) target(%dma_start3A_201 : memref<128x16xf32, #tpu.memory_space<vmem>>) offsets(%dma_start3A_204 : memref<128xi32, #tpu.memory_space<vmem>>) semaphore(%arg19 : memref<!tpu.dma_semaphore, #tpu.memory_space<semaphore_mem>>)
      %dma_start3A_208 = arith.constant 6 : i32
      %dma_start3A_209 = arith.constant 768 : i32
      %dma_start3A_210 = arith.constant 0 : i32
      %dma_start3A_211 = tpu.memref_slice %arg11[%dma_start3A_209, %dma_start3A_210] : memref<2048x16xf32, #tpu.memory_space<vmem>> -> memref<128x16xf32, #tpu.memory_space<vmem>>
      %dma_start3A_212 = arith.constant 0 : i32
      %dma_start3A_213 = tpu.memref_slice %arg9[%dma_start3A_208, %dma_start3A_212] : memref<16x128xi32, #tpu.memory_space<vmem>> -> memref<1x128xi32, #tpu.memory_space<vmem>>
      %dma_start3A_214 = tpu.memref_squeeze %dma_start3A_213 : memref<1x128xi32, #tpu.memory_space<vmem>> -> memref<128xi32, #tpu.memory_space<vmem>>
      %dma_start3A_215 = arith.constant 0 : i32
      %dma_start3A_216 = arith.constant 0 : i32
      %dma_start3A_217 = tpu.memref_slice %arg2[%dma_start3A_215, %dma_start3A_216] : memref<50008x16xf32, #tpu.memory_space<hbm>> -> memref<50008x16xf32, #tpu.memory_space<hbm>>
      tpu.enqueue_indirect_dma source(%dma_start3A_217 : memref<50008x16xf32, #tpu.memory_space<hbm>>) target(%dma_start3A_211 : memref<128x16xf32, #tpu.memory_space<vmem>>) offsets(%dma_start3A_214 : memref<128xi32, #tpu.memory_space<vmem>>) semaphore(%arg19 : memref<!tpu.dma_semaphore, #tpu.memory_space<semaphore_mem>>)
      %dma_start3A_218 = arith.constant 6 : i32
      %dma_start3A_219 = arith.constant 768 : i32
      %dma_start3A_220 = arith.constant 0 : i32
      %dma_start3A_221 = tpu.memref_slice %arg12[%dma_start3A_219, %dma_start3A_220] : memref<2048x16xf32, #tpu.memory_space<vmem>> -> memref<128x16xf32, #tpu.memory_space<vmem>>
      %dma_start3A_222 = arith.constant 0 : i32
      %dma_start3A_223 = tpu.memref_slice %arg10[%dma_start3A_218, %dma_start3A_222] : memref<16x128xi32, #tpu.memory_space<vmem>> -> memref<1x128xi32, #tpu.memory_space<vmem>>
      %dma_start3A_224 = tpu.memref_squeeze %dma_start3A_223 : memref<1x128xi32, #tpu.memory_space<vmem>> -> memref<128xi32, #tpu.memory_space<vmem>>
      %dma_start3A_225 = arith.constant 0 : i32
      %dma_start3A_226 = arith.constant 0 : i32
      %dma_start3A_227 = tpu.memref_slice %arg2[%dma_start3A_225, %dma_start3A_226] : memref<50008x16xf32, #tpu.memory_space<hbm>> -> memref<50008x16xf32, #tpu.memory_space<hbm>>
      tpu.enqueue_indirect_dma source(%dma_start3A_227 : memref<50008x16xf32, #tpu.memory_space<hbm>>) target(%dma_start3A_221 : memref<128x16xf32, #tpu.memory_space<vmem>>) offsets(%dma_start3A_224 : memref<128xi32, #tpu.memory_space<vmem>>) semaphore(%arg19 : memref<!tpu.dma_semaphore, #tpu.memory_space<semaphore_mem>>)
      %dma_start3A_228 = arith.constant 7 : i32
      %dma_start3A_229 = arith.constant 896 : i32
      %dma_start3A_230 = arith.constant 0 : i32
      %dma_start3A_231 = tpu.memref_slice %arg11[%dma_start3A_229, %dma_start3A_230] : memref<2048x16xf32, #tpu.memory_space<vmem>> -> memref<128x16xf32, #tpu.memory_space<vmem>>
      %dma_start3A_232 = arith.constant 0 : i32
      %dma_start3A_233 = tpu.memref_slice %arg9[%dma_start3A_228, %dma_start3A_232] : memref<16x128xi32, #tpu.memory_space<vmem>> -> memref<1x128xi32, #tpu.memory_space<vmem>>
      %dma_start3A_234 = tpu.memref_squeeze %dma_start3A_233 : memref<1x128xi32, #tpu.memory_space<vmem>> -> memref<128xi32, #tpu.memory_space<vmem>>
      %dma_start3A_235 = arith.constant 0 : i32
      %dma_start3A_236 = arith.constant 0 : i32
      %dma_start3A_237 = tpu.memref_slice %arg2[%dma_start3A_235, %dma_start3A_236] : memref<50008x16xf32, #tpu.memory_space<hbm>> -> memref<50008x16xf32, #tpu.memory_space<hbm>>
      tpu.enqueue_indirect_dma source(%dma_start3A_237 : memref<50008x16xf32, #tpu.memory_space<hbm>>) target(%dma_start3A_231 : memref<128x16xf32, #tpu.memory_space<vmem>>) offsets(%dma_start3A_234 : memref<128xi32, #tpu.memory_space<vmem>>) semaphore(%arg19 : memref<!tpu.dma_semaphore, #tpu.memory_space<semaphore_mem>>)
      %dma_start3A_238 = arith.constant 7 : i32
      %dma_start3A_239 = arith.constant 896 : i32
      %dma_start3A_240 = arith.constant 0 : i32
      %dma_start3A_241 = tpu.memref_slice %arg12[%dma_start3A_239, %dma_start3A_240] : memref<2048x16xf32, #tpu.memory_space<vmem>> -> memref<128x16xf32, #tpu.memory_space<vmem>>
      %dma_start3A_242 = arith.constant 0 : i32
      %dma_start3A_243 = tpu.memref_slice %arg10[%dma_start3A_238, %dma_start3A_242] : memref<16x128xi32, #tpu.memory_space<vmem>> -> memref<1x128xi32, #tpu.memory_space<vmem>>
      %dma_start3A_244 = tpu.memref_squeeze %dma_start3A_243 : memref<1x128xi32, #tpu.memory_space<vmem>> -> memref<128xi32, #tpu.memory_space<vmem>>
      %dma_start3A_245 = arith.constant 0 : i32
      %dma_start3A_246 = arith.constant 0 : i32
      %dma_start3A_247 = tpu.memref_slice %arg2[%dma_start3A_245, %dma_start3A_246] : memref<50008x16xf32, #tpu.memory_space<hbm>> -> memref<50008x16xf32, #tpu.memory_space<hbm>>
      tpu.enqueue_indirect_dma source(%dma_start3A_247 : memref<50008x16xf32, #tpu.memory_space<hbm>>) target(%dma_start3A_241 : memref<128x16xf32, #tpu.memory_space<vmem>>) offsets(%dma_start3A_244 : memref<128xi32, #tpu.memory_space<vmem>>) semaphore(%arg19 : memref<!tpu.dma_semaphore, #tpu.memory_space<semaphore_mem>>)
      %dma_start3A_248 = arith.constant 8 : i32
      %dma_start3A_249 = arith.constant 1024 : i32
      %dma_start3A_250 = arith.constant 0 : i32
      %dma_start3A_251 = tpu.memref_slice %arg11[%dma_start3A_249, %dma_start3A_250] : memref<2048x16xf32, #tpu.memory_space<vmem>> -> memref<128x16xf32, #tpu.memory_space<vmem>>
      %dma_start3A_252 = arith.constant 0 : i32
      %dma_start3A_253 = tpu.memref_slice %arg9[%dma_start3A_248, %dma_start3A_252] : memref<16x128xi32, #tpu.memory_space<vmem>> -> memref<1x128xi32, #tpu.memory_space<vmem>>
      %dma_start3A_254 = tpu.memref_squeeze %dma_start3A_253 : memref<1x128xi32, #tpu.memory_space<vmem>> -> memref<128xi32, #tpu.memory_space<vmem>>
      %dma_start3A_255 = arith.constant 0 : i32
      %dma_start3A_256 = arith.constant 0 : i32
      %dma_start3A_257 = tpu.memref_slice %arg2[%dma_start3A_255, %dma_start3A_256] : memref<50008x16xf32, #tpu.memory_space<hbm>> -> memref<50008x16xf32, #tpu.memory_space<hbm>>
      tpu.enqueue_indirect_dma source(%dma_start3A_257 : memref<50008x16xf32, #tpu.memory_space<hbm>>) target(%dma_start3A_251 : memref<128x16xf32, #tpu.memory_space<vmem>>) offsets(%dma_start3A_254 : memref<128xi32, #tpu.memory_space<vmem>>) semaphore(%arg19 : memref<!tpu.dma_semaphore, #tpu.memory_space<semaphore_mem>>)
      %dma_start3A_258 = arith.constant 8 : i32
      %dma_start3A_259 = arith.constant 1024 : i32
      %dma_start3A_260 = arith.constant 0 : i32
      %dma_start3A_261 = tpu.memref_slice %arg12[%dma_start3A_259, %dma_start3A_260] : memref<2048x16xf32, #tpu.memory_space<vmem>> -> memref<128x16xf32, #tpu.memory_space<vmem>>
      %dma_start3A_262 = arith.constant 0 : i32
      %dma_start3A_263 = tpu.memref_slice %arg10[%dma_start3A_258, %dma_start3A_262] : memref<16x128xi32, #tpu.memory_space<vmem>> -> memref<1x128xi32, #tpu.memory_space<vmem>>
      %dma_start3A_264 = tpu.memref_squeeze %dma_start3A_263 : memref<1x128xi32, #tpu.memory_space<vmem>> -> memref<128xi32, #tpu.memory_space<vmem>>
      %dma_start3A_265 = arith.constant 0 : i32
      %dma_start3A_266 = arith.constant 0 : i32
      %dma_start3A_267 = tpu.memref_slice %arg2[%dma_start3A_265, %dma_start3A_266] : memref<50008x16xf32, #tpu.memory_space<hbm>> -> memref<50008x16xf32, #tpu.memory_space<hbm>>
      tpu.enqueue_indirect_dma source(%dma_start3A_267 : memref<50008x16xf32, #tpu.memory_space<hbm>>) target(%dma_start3A_261 : memref<128x16xf32, #tpu.memory_space<vmem>>) offsets(%dma_start3A_264 : memref<128xi32, #tpu.memory_space<vmem>>) semaphore(%arg19 : memref<!tpu.dma_semaphore, #tpu.memory_space<semaphore_mem>>)
      %dma_start3A_268 = arith.constant 9 : i32
      %dma_start3A_269 = arith.constant 1152 : i32
      %dma_start3A_270 = arith.constant 0 : i32
      %dma_start3A_271 = tpu.memref_slice %arg11[%dma_start3A_269, %dma_start3A_270] : memref<2048x16xf32, #tpu.memory_space<vmem>> -> memref<128x16xf32, #tpu.memory_space<vmem>>
      %dma_start3A_272 = arith.constant 0 : i32
      %dma_start3A_273 = tpu.memref_slice %arg9[%dma_start3A_268, %dma_start3A_272] : memref<16x128xi32, #tpu.memory_space<vmem>> -> memref<1x128xi32, #tpu.memory_space<vmem>>
      %dma_start3A_274 = tpu.memref_squeeze %dma_start3A_273 : memref<1x128xi32, #tpu.memory_space<vmem>> -> memref<128xi32, #tpu.memory_space<vmem>>
      %dma_start3A_275 = arith.constant 0 : i32
      %dma_start3A_276 = arith.constant 0 : i32
      %dma_start3A_277 = tpu.memref_slice %arg2[%dma_start3A_275, %dma_start3A_276] : memref<50008x16xf32, #tpu.memory_space<hbm>> -> memref<50008x16xf32, #tpu.memory_space<hbm>>
      tpu.enqueue_indirect_dma source(%dma_start3A_277 : memref<50008x16xf32, #tpu.memory_space<hbm>>) target(%dma_start3A_271 : memref<128x16xf32, #tpu.memory_space<vmem>>) offsets(%dma_start3A_274 : memref<128xi32, #tpu.memory_space<vmem>>) semaphore(%arg19 : memref<!tpu.dma_semaphore, #tpu.memory_space<semaphore_mem>>)
      %dma_start3A_278 = arith.constant 9 : i32
      %dma_start3A_279 = arith.constant 1152 : i32
      %dma_start3A_280 = arith.constant 0 : i32
      %dma_start3A_281 = tpu.memref_slice %arg12[%dma_start3A_279, %dma_start3A_280] : memref<2048x16xf32, #tpu.memory_space<vmem>> -> memref<128x16xf32, #tpu.memory_space<vmem>>
      %dma_start3A_282 = arith.constant 0 : i32
      %dma_start3A_283 = tpu.memref_slice %arg10[%dma_start3A_278, %dma_start3A_282] : memref<16x128xi32, #tpu.memory_space<vmem>> -> memref<1x128xi32, #tpu.memory_space<vmem>>
      %dma_start3A_284 = tpu.memref_squeeze %dma_start3A_283 : memref<1x128xi32, #tpu.memory_space<vmem>> -> memref<128xi32, #tpu.memory_space<vmem>>
      %dma_start3A_285 = arith.constant 0 : i32
      %dma_start3A_286 = arith.constant 0 : i32
      %dma_start3A_287 = tpu.memref_slice %arg2[%dma_start3A_285, %dma_start3A_286] : memref<50008x16xf32, #tpu.memory_space<hbm>> -> memref<50008x16xf32, #tpu.memory_space<hbm>>
      tpu.enqueue_indirect_dma source(%dma_start3A_287 : memref<50008x16xf32, #tpu.memory_space<hbm>>) target(%dma_start3A_281 : memref<128x16xf32, #tpu.memory_space<vmem>>) offsets(%dma_start3A_284 : memref<128xi32, #tpu.memory_space<vmem>>) semaphore(%arg19 : memref<!tpu.dma_semaphore, #tpu.memory_space<semaphore_mem>>)
      %dma_start3A_288 = arith.constant 10 : i32
      %dma_start3A_289 = arith.constant 1280 : i32
      %dma_start3A_290 = arith.constant 0 : i32
      %dma_start3A_291 = tpu.memref_slice %arg11[%dma_start3A_289, %dma_start3A_290] : memref<2048x16xf32, #tpu.memory_space<vmem>> -> memref<128x16xf32, #tpu.memory_space<vmem>>
      %dma_start3A_292 = arith.constant 0 : i32
      %dma_start3A_293 = tpu.memref_slice %arg9[%dma_start3A_288, %dma_start3A_292] : memref<16x128xi32, #tpu.memory_space<vmem>> -> memref<1x128xi32, #tpu.memory_space<vmem>>
      %dma_start3A_294 = tpu.memref_squeeze %dma_start3A_293 : memref<1x128xi32, #tpu.memory_space<vmem>> -> memref<128xi32, #tpu.memory_space<vmem>>
      %dma_start3A_295 = arith.constant 0 : i32
      %dma_start3A_296 = arith.constant 0 : i32
      %dma_start3A_297 = tpu.memref_slice %arg2[%dma_start3A_295, %dma_start3A_296] : memref<50008x16xf32, #tpu.memory_space<hbm>> -> memref<50008x16xf32, #tpu.memory_space<hbm>>
      tpu.enqueue_indirect_dma source(%dma_start3A_297 : memref<50008x16xf32, #tpu.memory_space<hbm>>) target(%dma_start3A_291 : memref<128x16xf32, #tpu.memory_space<vmem>>) offsets(%dma_start3A_294 : memref<128xi32, #tpu.memory_space<vmem>>) semaphore(%arg19 : memref<!tpu.dma_semaphore, #tpu.memory_space<semaphore_mem>>)
      %dma_start3A_298 = arith.constant 10 : i32
      %dma_start3A_299 = arith.constant 1280 : i32
      %dma_start3A_300 = arith.constant 0 : i32
      %dma_start3A_301 = tpu.memref_slice %arg12[%dma_start3A_299, %dma_start3A_300] : memref<2048x16xf32, #tpu.memory_space<vmem>> -> memref<128x16xf32, #tpu.memory_space<vmem>>
      %dma_start3A_302 = arith.constant 0 : i32
      %dma_start3A_303 = tpu.memref_slice %arg10[%dma_start3A_298, %dma_start3A_302] : memref<16x128xi32, #tpu.memory_space<vmem>> -> memref<1x128xi32, #tpu.memory_space<vmem>>
      %dma_start3A_304 = tpu.memref_squeeze %dma_start3A_303 : memref<1x128xi32, #tpu.memory_space<vmem>> -> memref<128xi32, #tpu.memory_space<vmem>>
      %dma_start3A_305 = arith.constant 0 : i32
      %dma_start3A_306 = arith.constant 0 : i32
      %dma_start3A_307 = tpu.memref_slice %arg2[%dma_start3A_305, %dma_start3A_306] : memref<50008x16xf32, #tpu.memory_space<hbm>> -> memref<50008x16xf32, #tpu.memory_space<hbm>>
      tpu.enqueue_indirect_dma source(%dma_start3A_307 : memref<50008x16xf32, #tpu.memory_space<hbm>>) target(%dma_start3A_301 : memref<128x16xf32, #tpu.memory_space<vmem>>) offsets(%dma_start3A_304 : memref<128xi32, #tpu.memory_space<vmem>>) semaphore(%arg19 : memref<!tpu.dma_semaphore, #tpu.memory_space<semaphore_mem>>)
      %dma_start3A_308 = arith.constant 11 : i32
      %dma_start3A_309 = arith.constant 1408 : i32
      %dma_start3A_310 = arith.constant 0 : i32
      %dma_start3A_311 = tpu.memref_slice %arg11[%dma_start3A_309, %dma_start3A_310] : memref<2048x16xf32, #tpu.memory_space<vmem>> -> memref<128x16xf32, #tpu.memory_space<vmem>>
      %dma_start3A_312 = arith.constant 0 : i32
      %dma_start3A_313 = tpu.memref_slice %arg9[%dma_start3A_308, %dma_start3A_312] : memref<16x128xi32, #tpu.memory_space<vmem>> -> memref<1x128xi32, #tpu.memory_space<vmem>>
      %dma_start3A_314 = tpu.memref_squeeze %dma_start3A_313 : memref<1x128xi32, #tpu.memory_space<vmem>> -> memref<128xi32, #tpu.memory_space<vmem>>
      %dma_start3A_315 = arith.constant 0 : i32
      %dma_start3A_316 = arith.constant 0 : i32
      %dma_start3A_317 = tpu.memref_slice %arg2[%dma_start3A_315, %dma_start3A_316] : memref<50008x16xf32, #tpu.memory_space<hbm>> -> memref<50008x16xf32, #tpu.memory_space<hbm>>
      tpu.enqueue_indirect_dma source(%dma_start3A_317 : memref<50008x16xf32, #tpu.memory_space<hbm>>) target(%dma_start3A_311 : memref<128x16xf32, #tpu.memory_space<vmem>>) offsets(%dma_start3A_314 : memref<128xi32, #tpu.memory_space<vmem>>) semaphore(%arg19 : memref<!tpu.dma_semaphore, #tpu.memory_space<semaphore_mem>>)
      %dma_start3A_318 = arith.constant 11 : i32
      %dma_start3A_319 = arith.constant 1408 : i32
      %dma_start3A_320 = arith.constant 0 : i32
      %dma_start3A_321 = tpu.memref_slice %arg12[%dma_start3A_319, %dma_start3A_320] : memref<2048x16xf32, #tpu.memory_space<vmem>> -> memref<128x16xf32, #tpu.memory_space<vmem>>
      %dma_start3A_322 = arith.constant 0 : i32
      %dma_start3A_323 = tpu.memref_slice %arg10[%dma_start3A_318, %dma_start3A_322] : memref<16x128xi32, #tpu.memory_space<vmem>> -> memref<1x128xi32, #tpu.memory_space<vmem>>
      %dma_start3A_324 = tpu.memref_squeeze %dma_start3A_323 : memref<1x128xi32, #tpu.memory_space<vmem>> -> memref<128xi32, #tpu.memory_space<vmem>>
      %dma_start3A_325 = arith.constant 0 : i32
      %dma_start3A_326 = arith.constant 0 : i32
      %dma_start3A_327 = tpu.memref_slice %arg2[%dma_start3A_325, %dma_start3A_326] : memref<50008x16xf32, #tpu.memory_space<hbm>> -> memref<50008x16xf32, #tpu.memory_space<hbm>>
      tpu.enqueue_indirect_dma source(%dma_start3A_327 : memref<50008x16xf32, #tpu.memory_space<hbm>>) target(%dma_start3A_321 : memref<128x16xf32, #tpu.memory_space<vmem>>) offsets(%dma_start3A_324 : memref<128xi32, #tpu.memory_space<vmem>>) semaphore(%arg19 : memref<!tpu.dma_semaphore, #tpu.memory_space<semaphore_mem>>)
      %dma_start3A_328 = arith.constant 12 : i32
      %dma_start3A_329 = arith.constant 1536 : i32
      %dma_start3A_330 = arith.constant 0 : i32
      %dma_start3A_331 = tpu.memref_slice %arg11[%dma_start3A_329, %dma_start3A_330] : memref<2048x16xf32, #tpu.memory_space<vmem>> -> memref<128x16xf32, #tpu.memory_space<vmem>>
      %dma_start3A_332 = arith.constant 0 : i32
      %dma_start3A_333 = tpu.memref_slice %arg9[%dma_start3A_328, %dma_start3A_332] : memref<16x128xi32, #tpu.memory_space<vmem>> -> memref<1x128xi32, #tpu.memory_space<vmem>>
      %dma_start3A_334 = tpu.memref_squeeze %dma_start3A_333 : memref<1x128xi32, #tpu.memory_space<vmem>> -> memref<128xi32, #tpu.memory_space<vmem>>
      %dma_start3A_335 = arith.constant 0 : i32
      %dma_start3A_336 = arith.constant 0 : i32
      %dma_start3A_337 = tpu.memref_slice %arg2[%dma_start3A_335, %dma_start3A_336] : memref<50008x16xf32, #tpu.memory_space<hbm>> -> memref<50008x16xf32, #tpu.memory_space<hbm>>
      tpu.enqueue_indirect_dma source(%dma_start3A_337 : memref<50008x16xf32, #tpu.memory_space<hbm>>) target(%dma_start3A_331 : memref<128x16xf32, #tpu.memory_space<vmem>>) offsets(%dma_start3A_334 : memref<128xi32, #tpu.memory_space<vmem>>) semaphore(%arg19 : memref<!tpu.dma_semaphore, #tpu.memory_space<semaphore_mem>>)
      %dma_start3A_338 = arith.constant 12 : i32
      %dma_start3A_339 = arith.constant 1536 : i32
      %dma_start3A_340 = arith.constant 0 : i32
      %dma_start3A_341 = tpu.memref_slice %arg12[%dma_start3A_339, %dma_start3A_340] : memref<2048x16xf32, #tpu.memory_space<vmem>> -> memref<128x16xf32, #tpu.memory_space<vmem>>
      %dma_start3A_342 = arith.constant 0 : i32
      %dma_start3A_343 = tpu.memref_slice %arg10[%dma_start3A_338, %dma_start3A_342] : memref<16x128xi32, #tpu.memory_space<vmem>> -> memref<1x128xi32, #tpu.memory_space<vmem>>
      %dma_start3A_344 = tpu.memref_squeeze %dma_start3A_343 : memref<1x128xi32, #tpu.memory_space<vmem>> -> memref<128xi32, #tpu.memory_space<vmem>>
      %dma_start3A_345 = arith.constant 0 : i32
      %dma_start3A_346 = arith.constant 0 : i32
      %dma_start3A_347 = tpu.memref_slice %arg2[%dma_start3A_345, %dma_start3A_346] : memref<50008x16xf32, #tpu.memory_space<hbm>> -> memref<50008x16xf32, #tpu.memory_space<hbm>>
      tpu.enqueue_indirect_dma source(%dma_start3A_347 : memref<50008x16xf32, #tpu.memory_space<hbm>>) target(%dma_start3A_341 : memref<128x16xf32, #tpu.memory_space<vmem>>) offsets(%dma_start3A_344 : memref<128xi32, #tpu.memory_space<vmem>>) semaphore(%arg19 : memref<!tpu.dma_semaphore, #tpu.memory_space<semaphore_mem>>)
      %dma_start3A_348 = arith.constant 13 : i32
      %dma_start3A_349 = arith.constant 1664 : i32
      %dma_start3A_350 = arith.constant 0 : i32
      %dma_start3A_351 = tpu.memref_slice %arg11[%dma_start3A_349, %dma_start3A_350] : memref<2048x16xf32, #tpu.memory_space<vmem>> -> memref<128x16xf32, #tpu.memory_space<vmem>>
      %dma_start3A_352 = arith.constant 0 : i32
      %dma_start3A_353 = tpu.memref_slice %arg9[%dma_start3A_348, %dma_start3A_352] : memref<16x128xi32, #tpu.memory_space<vmem>> -> memref<1x128xi32, #tpu.memory_space<vmem>>
      %dma_start3A_354 = tpu.memref_squeeze %dma_start3A_353 : memref<1x128xi32, #tpu.memory_space<vmem>> -> memref<128xi32, #tpu.memory_space<vmem>>
      %dma_start3A_355 = arith.constant 0 : i32
      %dma_start3A_356 = arith.constant 0 : i32
      %dma_start3A_357 = tpu.memref_slice %arg2[%dma_start3A_355, %dma_start3A_356] : memref<50008x16xf32, #tpu.memory_space<hbm>> -> memref<50008x16xf32, #tpu.memory_space<hbm>>
      tpu.enqueue_indirect_dma source(%dma_start3A_357 : memref<50008x16xf32, #tpu.memory_space<hbm>>) target(%dma_start3A_351 : memref<128x16xf32, #tpu.memory_space<vmem>>) offsets(%dma_start3A_354 : memref<128xi32, #tpu.memory_space<vmem>>) semaphore(%arg19 : memref<!tpu.dma_semaphore, #tpu.memory_space<semaphore_mem>>)
      %dma_start3A_358 = arith.constant 13 : i32
      %dma_start3A_359 = arith.constant 1664 : i32
      %dma_start3A_360 = arith.constant 0 : i32
      %dma_start3A_361 = tpu.memref_slice %arg12[%dma_start3A_359, %dma_start3A_360] : memref<2048x16xf32, #tpu.memory_space<vmem>> -> memref<128x16xf32, #tpu.memory_space<vmem>>
      %dma_start3A_362 = arith.constant 0 : i32
      %dma_start3A_363 = tpu.memref_slice %arg10[%dma_start3A_358, %dma_start3A_362] : memref<16x128xi32, #tpu.memory_space<vmem>> -> memref<1x128xi32, #tpu.memory_space<vmem>>
      %dma_start3A_364 = tpu.memref_squeeze %dma_start3A_363 : memref<1x128xi32, #tpu.memory_space<vmem>> -> memref<128xi32, #tpu.memory_space<vmem>>
      %dma_start3A_365 = arith.constant 0 : i32
      %dma_start3A_366 = arith.constant 0 : i32
      %dma_start3A_367 = tpu.memref_slice %arg2[%dma_start3A_365, %dma_start3A_366] : memref<50008x16xf32, #tpu.memory_space<hbm>> -> memref<50008x16xf32, #tpu.memory_space<hbm>>
      tpu.enqueue_indirect_dma source(%dma_start3A_367 : memref<50008x16xf32, #tpu.memory_space<hbm>>) target(%dma_start3A_361 : memref<128x16xf32, #tpu.memory_space<vmem>>) offsets(%dma_start3A_364 : memref<128xi32, #tpu.memory_space<vmem>>) semaphore(%arg19 : memref<!tpu.dma_semaphore, #tpu.memory_space<semaphore_mem>>)
      %dma_start3A_368 = arith.constant 14 : i32
      %dma_start3A_369 = arith.constant 1792 : i32
      %dma_start3A_370 = arith.constant 0 : i32
      %dma_start3A_371 = tpu.memref_slice %arg11[%dma_start3A_369, %dma_start3A_370] : memref<2048x16xf32, #tpu.memory_space<vmem>> -> memref<128x16xf32, #tpu.memory_space<vmem>>
      %dma_start3A_372 = arith.constant 0 : i32
      %dma_start3A_373 = tpu.memref_slice %arg9[%dma_start3A_368, %dma_start3A_372] : memref<16x128xi32, #tpu.memory_space<vmem>> -> memref<1x128xi32, #tpu.memory_space<vmem>>
      %dma_start3A_374 = tpu.memref_squeeze %dma_start3A_373 : memref<1x128xi32, #tpu.memory_space<vmem>> -> memref<128xi32, #tpu.memory_space<vmem>>
      %dma_start3A_375 = arith.constant 0 : i32
      %dma_start3A_376 = arith.constant 0 : i32
      %dma_start3A_377 = tpu.memref_slice %arg2[%dma_start3A_375, %dma_start3A_376] : memref<50008x16xf32, #tpu.memory_space<hbm>> -> memref<50008x16xf32, #tpu.memory_space<hbm>>
      tpu.enqueue_indirect_dma source(%dma_start3A_377 : memref<50008x16xf32, #tpu.memory_space<hbm>>) target(%dma_start3A_371 : memref<128x16xf32, #tpu.memory_space<vmem>>) offsets(%dma_start3A_374 : memref<128xi32, #tpu.memory_space<vmem>>) semaphore(%arg19 : memref<!tpu.dma_semaphore, #tpu.memory_space<semaphore_mem>>)
      %dma_start3A_378 = arith.constant 14 : i32
      %dma_start3A_379 = arith.constant 1792 : i32
      %dma_start3A_380 = arith.constant 0 : i32
      %dma_start3A_381 = tpu.memref_slice %arg12[%dma_start3A_379, %dma_start3A_380] : memref<2048x16xf32, #tpu.memory_space<vmem>> -> memref<128x16xf32, #tpu.memory_space<vmem>>
      %dma_start3A_382 = arith.constant 0 : i32
      %dma_start3A_383 = tpu.memref_slice %arg10[%dma_start3A_378, %dma_start3A_382] : memref<16x128xi32, #tpu.memory_space<vmem>> -> memref<1x128xi32, #tpu.memory_space<vmem>>
      %dma_start3A_384 = tpu.memref_squeeze %dma_start3A_383 : memref<1x128xi32, #tpu.memory_space<vmem>> -> memref<128xi32, #tpu.memory_space<vmem>>
      %dma_start3A_385 = arith.constant 0 : i32
      %dma_start3A_386 = arith.constant 0 : i32
      %dma_start3A_387 = tpu.memref_slice %arg2[%dma_start3A_385, %dma_start3A_386] : memref<50008x16xf32, #tpu.memory_space<hbm>> -> memref<50008x16xf32, #tpu.memory_space<hbm>>
      tpu.enqueue_indirect_dma source(%dma_start3A_387 : memref<50008x16xf32, #tpu.memory_space<hbm>>) target(%dma_start3A_381 : memref<128x16xf32, #tpu.memory_space<vmem>>) offsets(%dma_start3A_384 : memref<128xi32, #tpu.memory_space<vmem>>) semaphore(%arg19 : memref<!tpu.dma_semaphore, #tpu.memory_space<semaphore_mem>>)
      %dma_start3A_388 = arith.constant 15 : i32
      %dma_start3A_389 = arith.constant 1920 : i32
      %dma_start3A_390 = arith.constant 0 : i32
      %dma_start3A_391 = tpu.memref_slice %arg11[%dma_start3A_389, %dma_start3A_390] : memref<2048x16xf32, #tpu.memory_space<vmem>> -> memref<128x16xf32, #tpu.memory_space<vmem>>
      %dma_start3A_392 = arith.constant 0 : i32
      %dma_start3A_393 = tpu.memref_slice %arg9[%dma_start3A_388, %dma_start3A_392] : memref<16x128xi32, #tpu.memory_space<vmem>> -> memref<1x128xi32, #tpu.memory_space<vmem>>
      %dma_start3A_394 = tpu.memref_squeeze %dma_start3A_393 : memref<1x128xi32, #tpu.memory_space<vmem>> -> memref<128xi32, #tpu.memory_space<vmem>>
      %dma_start3A_395 = arith.constant 0 : i32
      %dma_start3A_396 = arith.constant 0 : i32
      %dma_start3A_397 = tpu.memref_slice %arg2[%dma_start3A_395, %dma_start3A_396] : memref<50008x16xf32, #tpu.memory_space<hbm>> -> memref<50008x16xf32, #tpu.memory_space<hbm>>
      tpu.enqueue_indirect_dma source(%dma_start3A_397 : memref<50008x16xf32, #tpu.memory_space<hbm>>) target(%dma_start3A_391 : memref<128x16xf32, #tpu.memory_space<vmem>>) offsets(%dma_start3A_394 : memref<128xi32, #tpu.memory_space<vmem>>) semaphore(%arg19 : memref<!tpu.dma_semaphore, #tpu.memory_space<semaphore_mem>>)
      %dma_start3A_398 = arith.constant 15 : i32
      %dma_start3A_399 = arith.constant 1920 : i32
      %dma_start3A_400 = arith.constant 0 : i32
      %dma_start3A_401 = tpu.memref_slice %arg12[%dma_start3A_399, %dma_start3A_400] : memref<2048x16xf32, #tpu.memory_space<vmem>> -> memref<128x16xf32, #tpu.memory_space<vmem>>
      %dma_start3A_402 = arith.constant 0 : i32
      %dma_start3A_403 = tpu.memref_slice %arg10[%dma_start3A_398, %dma_start3A_402] : memref<16x128xi32, #tpu.memory_space<vmem>> -> memref<1x128xi32, #tpu.memory_space<vmem>>
      %dma_start3A_404 = tpu.memref_squeeze %dma_start3A_403 : memref<1x128xi32, #tpu.memory_space<vmem>> -> memref<128xi32, #tpu.memory_space<vmem>>
      %dma_start3A_405 = arith.constant 0 : i32
      %dma_start3A_406 = arith.constant 0 : i32
      %dma_start3A_407 = tpu.memref_slice %arg2[%dma_start3A_405, %dma_start3A_406] : memref<50008x16xf32, #tpu.memory_space<hbm>> -> memref<50008x16xf32, #tpu.memory_space<hbm>>
      tpu.enqueue_indirect_dma source(%dma_start3A_407 : memref<50008x16xf32, #tpu.memory_space<hbm>>) target(%dma_start3A_401 : memref<128x16xf32, #tpu.memory_space<vmem>>) offsets(%dma_start3A_404 : memref<128xi32, #tpu.memory_space<vmem>>) semaphore(%arg19 : memref<!tpu.dma_semaphore, #tpu.memory_space<semaphore_mem>>)
      %dma_wait3A_408 = arith.constant 0 : i32
      %dma_wait3A_409 = arith.constant 0 : i32
      %dma_wait3A_410 = arith.constant 0 : i32
      %dma_wait3A_411 = tpu.memref_slice %arg11[%dma_wait3A_409, %dma_wait3A_410] : memref<2048x16xf32, #tpu.memory_space<vmem>> -> memref<128x16xf32, #tpu.memory_space<vmem>>
      %dma_wait3A_412 = arith.constant 0 : i32
      %dma_wait3A_413 = tpu.memref_slice %arg9[%dma_wait3A_408, %dma_wait3A_412] : memref<16x128xi32, #tpu.memory_space<vmem>> -> memref<1x128xi32, #tpu.memory_space<vmem>>
      %dma_wait3A_414 = tpu.memref_squeeze %dma_wait3A_413 : memref<1x128xi32, #tpu.memory_space<vmem>> -> memref<128xi32, #tpu.memory_space<vmem>>
      %dma_wait3A_415 = arith.constant 0 : i32
      %dma_wait3A_416 = arith.constant 0 : i32
      %dma_wait3A_417 = tpu.memref_slice %arg2[%dma_wait3A_415, %dma_wait3A_416] : memref<50008x16xf32, #tpu.memory_space<hbm>> -> memref<50008x16xf32, #tpu.memory_space<hbm>>
      tpu.wait_indirect_dma semaphore(%arg19 : memref<!tpu.dma_semaphore, #tpu.memory_space<semaphore_mem>>) src(%dma_wait3A_417 : memref<50008x16xf32, #tpu.memory_space<hbm>>) dst(%dma_wait3A_411 : memref<128x16xf32, #tpu.memory_space<vmem>>)
      %dma_wait3A_418 = arith.constant 0 : i32
      %dma_wait3A_419 = arith.constant 0 : i32
      %dma_wait3A_420 = arith.constant 0 : i32
      %dma_wait3A_421 = tpu.memref_slice %arg12[%dma_wait3A_419, %dma_wait3A_420] : memref<2048x16xf32, #tpu.memory_space<vmem>> -> memref<128x16xf32, #tpu.memory_space<vmem>>
      %dma_wait3A_422 = arith.constant 0 : i32
      %dma_wait3A_423 = tpu.memref_slice %arg10[%dma_wait3A_418, %dma_wait3A_422] : memref<16x128xi32, #tpu.memory_space<vmem>> -> memref<1x128xi32, #tpu.memory_space<vmem>>
      %dma_wait3A_424 = tpu.memref_squeeze %dma_wait3A_423 : memref<1x128xi32, #tpu.memory_space<vmem>> -> memref<128xi32, #tpu.memory_space<vmem>>
      %dma_wait3A_425 = arith.constant 0 : i32
      %dma_wait3A_426 = arith.constant 0 : i32
      %dma_wait3A_427 = tpu.memref_slice %arg2[%dma_wait3A_425, %dma_wait3A_426] : memref<50008x16xf32, #tpu.memory_space<hbm>> -> memref<50008x16xf32, #tpu.memory_space<hbm>>
      tpu.wait_indirect_dma semaphore(%arg19 : memref<!tpu.dma_semaphore, #tpu.memory_space<semaphore_mem>>) src(%dma_wait3A_427 : memref<50008x16xf32, #tpu.memory_space<hbm>>) dst(%dma_wait3A_421 : memref<128x16xf32, #tpu.memory_space<vmem>>)
      %dma_wait3A_428 = arith.constant 1 : i32
      %dma_wait3A_429 = arith.constant 128 : i32
      %dma_wait3A_430 = arith.constant 0 : i32
      %dma_wait3A_431 = tpu.memref_slice %arg11[%dma_wait3A_429, %dma_wait3A_430] : memref<2048x16xf32, #tpu.memory_space<vmem>> -> memref<128x16xf32, #tpu.memory_space<vmem>>
      %dma_wait3A_432 = arith.constant 0 : i32
      %dma_wait3A_433 = tpu.memref_slice %arg9[%dma_wait3A_428, %dma_wait3A_432] : memref<16x128xi32, #tpu.memory_space<vmem>> -> memref<1x128xi32, #tpu.memory_space<vmem>>
      %dma_wait3A_434 = tpu.memref_squeeze %dma_wait3A_433 : memref<1x128xi32, #tpu.memory_space<vmem>> -> memref<128xi32, #tpu.memory_space<vmem>>
      %dma_wait3A_435 = arith.constant 0 : i32
      %dma_wait3A_436 = arith.constant 0 : i32
      %dma_wait3A_437 = tpu.memref_slice %arg2[%dma_wait3A_435, %dma_wait3A_436] : memref<50008x16xf32, #tpu.memory_space<hbm>> -> memref<50008x16xf32, #tpu.memory_space<hbm>>
      tpu.wait_indirect_dma semaphore(%arg19 : memref<!tpu.dma_semaphore, #tpu.memory_space<semaphore_mem>>) src(%dma_wait3A_437 : memref<50008x16xf32, #tpu.memory_space<hbm>>) dst(%dma_wait3A_431 : memref<128x16xf32, #tpu.memory_space<vmem>>)
      %dma_wait3A_438 = arith.constant 1 : i32
      %dma_wait3A_439 = arith.constant 128 : i32
      %dma_wait3A_440 = arith.constant 0 : i32
      %dma_wait3A_441 = tpu.memref_slice %arg12[%dma_wait3A_439, %dma_wait3A_440] : memref<2048x16xf32, #tpu.memory_space<vmem>> -> memref<128x16xf32, #tpu.memory_space<vmem>>
      %dma_wait3A_442 = arith.constant 0 : i32
      %dma_wait3A_443 = tpu.memref_slice %arg10[%dma_wait3A_438, %dma_wait3A_442] : memref<16x128xi32, #tpu.memory_space<vmem>> -> memref<1x128xi32, #tpu.memory_space<vmem>>
      %dma_wait3A_444 = tpu.memref_squeeze %dma_wait3A_443 : memref<1x128xi32, #tpu.memory_space<vmem>> -> memref<128xi32, #tpu.memory_space<vmem>>
      %dma_wait3A_445 = arith.constant 0 : i32
      %dma_wait3A_446 = arith.constant 0 : i32
      %dma_wait3A_447 = tpu.memref_slice %arg2[%dma_wait3A_445, %dma_wait3A_446] : memref<50008x16xf32, #tpu.memory_space<hbm>> -> memref<50008x16xf32, #tpu.memory_space<hbm>>
      tpu.wait_indirect_dma semaphore(%arg19 : memref<!tpu.dma_semaphore, #tpu.memory_space<semaphore_mem>>) src(%dma_wait3A_447 : memref<50008x16xf32, #tpu.memory_space<hbm>>) dst(%dma_wait3A_441 : memref<128x16xf32, #tpu.memory_space<vmem>>)
      %dma_wait3A_448 = arith.constant 2 : i32
      %dma_wait3A_449 = arith.constant 256 : i32
      %dma_wait3A_450 = arith.constant 0 : i32
      %dma_wait3A_451 = tpu.memref_slice %arg11[%dma_wait3A_449, %dma_wait3A_450] : memref<2048x16xf32, #tpu.memory_space<vmem>> -> memref<128x16xf32, #tpu.memory_space<vmem>>
      %dma_wait3A_452 = arith.constant 0 : i32
      %dma_wait3A_453 = tpu.memref_slice %arg9[%dma_wait3A_448, %dma_wait3A_452] : memref<16x128xi32, #tpu.memory_space<vmem>> -> memref<1x128xi32, #tpu.memory_space<vmem>>
      %dma_wait3A_454 = tpu.memref_squeeze %dma_wait3A_453 : memref<1x128xi32, #tpu.memory_space<vmem>> -> memref<128xi32, #tpu.memory_space<vmem>>
      %dma_wait3A_455 = arith.constant 0 : i32
      %dma_wait3A_456 = arith.constant 0 : i32
      %dma_wait3A_457 = tpu.memref_slice %arg2[%dma_wait3A_455, %dma_wait3A_456] : memref<50008x16xf32, #tpu.memory_space<hbm>> -> memref<50008x16xf32, #tpu.memory_space<hbm>>
      tpu.wait_indirect_dma semaphore(%arg19 : memref<!tpu.dma_semaphore, #tpu.memory_space<semaphore_mem>>) src(%dma_wait3A_457 : memref<50008x16xf32, #tpu.memory_space<hbm>>) dst(%dma_wait3A_451 : memref<128x16xf32, #tpu.memory_space<vmem>>)
      %dma_wait3A_458 = arith.constant 2 : i32
      %dma_wait3A_459 = arith.constant 256 : i32
      %dma_wait3A_460 = arith.constant 0 : i32
      %dma_wait3A_461 = tpu.memref_slice %arg12[%dma_wait3A_459, %dma_wait3A_460] : memref<2048x16xf32, #tpu.memory_space<vmem>> -> memref<128x16xf32, #tpu.memory_space<vmem>>
      %dma_wait3A_462 = arith.constant 0 : i32
      %dma_wait3A_463 = tpu.memref_slice %arg10[%dma_wait3A_458, %dma_wait3A_462] : memref<16x128xi32, #tpu.memory_space<vmem>> -> memref<1x128xi32, #tpu.memory_space<vmem>>
      %dma_wait3A_464 = tpu.memref_squeeze %dma_wait3A_463 : memref<1x128xi32, #tpu.memory_space<vmem>> -> memref<128xi32, #tpu.memory_space<vmem>>
      %dma_wait3A_465 = arith.constant 0 : i32
      %dma_wait3A_466 = arith.constant 0 : i32
      %dma_wait3A_467 = tpu.memref_slice %arg2[%dma_wait3A_465, %dma_wait3A_466] : memref<50008x16xf32, #tpu.memory_space<hbm>> -> memref<50008x16xf32, #tpu.memory_space<hbm>>
      tpu.wait_indirect_dma semaphore(%arg19 : memref<!tpu.dma_semaphore, #tpu.memory_space<semaphore_mem>>) src(%dma_wait3A_467 : memref<50008x16xf32, #tpu.memory_space<hbm>>) dst(%dma_wait3A_461 : memref<128x16xf32, #tpu.memory_space<vmem>>)
      %dma_wait3A_468 = arith.constant 3 : i32
      %dma_wait3A_469 = arith.constant 384 : i32
      %dma_wait3A_470 = arith.constant 0 : i32
      %dma_wait3A_471 = tpu.memref_slice %arg11[%dma_wait3A_469, %dma_wait3A_470] : memref<2048x16xf32, #tpu.memory_space<vmem>> -> memref<128x16xf32, #tpu.memory_space<vmem>>
      %dma_wait3A_472 = arith.constant 0 : i32
      %dma_wait3A_473 = tpu.memref_slice %arg9[%dma_wait3A_468, %dma_wait3A_472] : memref<16x128xi32, #tpu.memory_space<vmem>> -> memref<1x128xi32, #tpu.memory_space<vmem>>
      %dma_wait3A_474 = tpu.memref_squeeze %dma_wait3A_473 : memref<1x128xi32, #tpu.memory_space<vmem>> -> memref<128xi32, #tpu.memory_space<vmem>>
      %dma_wait3A_475 = arith.constant 0 : i32
      %dma_wait3A_476 = arith.constant 0 : i32
      %dma_wait3A_477 = tpu.memref_slice %arg2[%dma_wait3A_475, %dma_wait3A_476] : memref<50008x16xf32, #tpu.memory_space<hbm>> -> memref<50008x16xf32, #tpu.memory_space<hbm>>
      tpu.wait_indirect_dma semaphore(%arg19 : memref<!tpu.dma_semaphore, #tpu.memory_space<semaphore_mem>>) src(%dma_wait3A_477 : memref<50008x16xf32, #tpu.memory_space<hbm>>) dst(%dma_wait3A_471 : memref<128x16xf32, #tpu.memory_space<vmem>>)
      %dma_wait3A_478 = arith.constant 3 : i32
      %dma_wait3A_479 = arith.constant 384 : i32
      %dma_wait3A_480 = arith.constant 0 : i32
      %dma_wait3A_481 = tpu.memref_slice %arg12[%dma_wait3A_479, %dma_wait3A_480] : memref<2048x16xf32, #tpu.memory_space<vmem>> -> memref<128x16xf32, #tpu.memory_space<vmem>>
      %dma_wait3A_482 = arith.constant 0 : i32
      %dma_wait3A_483 = tpu.memref_slice %arg10[%dma_wait3A_478, %dma_wait3A_482] : memref<16x128xi32, #tpu.memory_space<vmem>> -> memref<1x128xi32, #tpu.memory_space<vmem>>
      %dma_wait3A_484 = tpu.memref_squeeze %dma_wait3A_483 : memref<1x128xi32, #tpu.memory_space<vmem>> -> memref<128xi32, #tpu.memory_space<vmem>>
      %dma_wait3A_485 = arith.constant 0 : i32
      %dma_wait3A_486 = arith.constant 0 : i32
      %dma_wait3A_487 = tpu.memref_slice %arg2[%dma_wait3A_485, %dma_wait3A_486] : memref<50008x16xf32, #tpu.memory_space<hbm>> -> memref<50008x16xf32, #tpu.memory_space<hbm>>
      tpu.wait_indirect_dma semaphore(%arg19 : memref<!tpu.dma_semaphore, #tpu.memory_space<semaphore_mem>>) src(%dma_wait3A_487 : memref<50008x16xf32, #tpu.memory_space<hbm>>) dst(%dma_wait3A_481 : memref<128x16xf32, #tpu.memory_space<vmem>>)
      %dma_wait3A_488 = arith.constant 4 : i32
      %dma_wait3A_489 = arith.constant 512 : i32
      %dma_wait3A_490 = arith.constant 0 : i32
      %dma_wait3A_491 = tpu.memref_slice %arg11[%dma_wait3A_489, %dma_wait3A_490] : memref<2048x16xf32, #tpu.memory_space<vmem>> -> memref<128x16xf32, #tpu.memory_space<vmem>>
      %dma_wait3A_492 = arith.constant 0 : i32
      %dma_wait3A_493 = tpu.memref_slice %arg9[%dma_wait3A_488, %dma_wait3A_492] : memref<16x128xi32, #tpu.memory_space<vmem>> -> memref<1x128xi32, #tpu.memory_space<vmem>>
      %dma_wait3A_494 = tpu.memref_squeeze %dma_wait3A_493 : memref<1x128xi32, #tpu.memory_space<vmem>> -> memref<128xi32, #tpu.memory_space<vmem>>
      %dma_wait3A_495 = arith.constant 0 : i32
      %dma_wait3A_496 = arith.constant 0 : i32
      %dma_wait3A_497 = tpu.memref_slice %arg2[%dma_wait3A_495, %dma_wait3A_496] : memref<50008x16xf32, #tpu.memory_space<hbm>> -> memref<50008x16xf32, #tpu.memory_space<hbm>>
      tpu.wait_indirect_dma semaphore(%arg19 : memref<!tpu.dma_semaphore, #tpu.memory_space<semaphore_mem>>) src(%dma_wait3A_497 : memref<50008x16xf32, #tpu.memory_space<hbm>>) dst(%dma_wait3A_491 : memref<128x16xf32, #tpu.memory_space<vmem>>)
      %dma_wait3A_498 = arith.constant 4 : i32
      %dma_wait3A_499 = arith.constant 512 : i32
      %dma_wait3A_500 = arith.constant 0 : i32
      %dma_wait3A_501 = tpu.memref_slice %arg12[%dma_wait3A_499, %dma_wait3A_500] : memref<2048x16xf32, #tpu.memory_space<vmem>> -> memref<128x16xf32, #tpu.memory_space<vmem>>
      %dma_wait3A_502 = arith.constant 0 : i32
      %dma_wait3A_503 = tpu.memref_slice %arg10[%dma_wait3A_498, %dma_wait3A_502] : memref<16x128xi32, #tpu.memory_space<vmem>> -> memref<1x128xi32, #tpu.memory_space<vmem>>
      %dma_wait3A_504 = tpu.memref_squeeze %dma_wait3A_503 : memref<1x128xi32, #tpu.memory_space<vmem>> -> memref<128xi32, #tpu.memory_space<vmem>>
      %dma_wait3A_505 = arith.constant 0 : i32
      %dma_wait3A_506 = arith.constant 0 : i32
      %dma_wait3A_507 = tpu.memref_slice %arg2[%dma_wait3A_505, %dma_wait3A_506] : memref<50008x16xf32, #tpu.memory_space<hbm>> -> memref<50008x16xf32, #tpu.memory_space<hbm>>
      tpu.wait_indirect_dma semaphore(%arg19 : memref<!tpu.dma_semaphore, #tpu.memory_space<semaphore_mem>>) src(%dma_wait3A_507 : memref<50008x16xf32, #tpu.memory_space<hbm>>) dst(%dma_wait3A_501 : memref<128x16xf32, #tpu.memory_space<vmem>>)
      %dma_wait3A_508 = arith.constant 5 : i32
      %dma_wait3A_509 = arith.constant 640 : i32
      %dma_wait3A_510 = arith.constant 0 : i32
      %dma_wait3A_511 = tpu.memref_slice %arg11[%dma_wait3A_509, %dma_wait3A_510] : memref<2048x16xf32, #tpu.memory_space<vmem>> -> memref<128x16xf32, #tpu.memory_space<vmem>>
      %dma_wait3A_512 = arith.constant 0 : i32
      %dma_wait3A_513 = tpu.memref_slice %arg9[%dma_wait3A_508, %dma_wait3A_512] : memref<16x128xi32, #tpu.memory_space<vmem>> -> memref<1x128xi32, #tpu.memory_space<vmem>>
      %dma_wait3A_514 = tpu.memref_squeeze %dma_wait3A_513 : memref<1x128xi32, #tpu.memory_space<vmem>> -> memref<128xi32, #tpu.memory_space<vmem>>
      %dma_wait3A_515 = arith.constant 0 : i32
      %dma_wait3A_516 = arith.constant 0 : i32
      %dma_wait3A_517 = tpu.memref_slice %arg2[%dma_wait3A_515, %dma_wait3A_516] : memref<50008x16xf32, #tpu.memory_space<hbm>> -> memref<50008x16xf32, #tpu.memory_space<hbm>>
      tpu.wait_indirect_dma semaphore(%arg19 : memref<!tpu.dma_semaphore, #tpu.memory_space<semaphore_mem>>) src(%dma_wait3A_517 : memref<50008x16xf32, #tpu.memory_space<hbm>>) dst(%dma_wait3A_511 : memref<128x16xf32, #tpu.memory_space<vmem>>)
      %dma_wait3A_518 = arith.constant 5 : i32
      %dma_wait3A_519 = arith.constant 640 : i32
      %dma_wait3A_520 = arith.constant 0 : i32
      %dma_wait3A_521 = tpu.memref_slice %arg12[%dma_wait3A_519, %dma_wait3A_520] : memref<2048x16xf32, #tpu.memory_space<vmem>> -> memref<128x16xf32, #tpu.memory_space<vmem>>
      %dma_wait3A_522 = arith.constant 0 : i32
      %dma_wait3A_523 = tpu.memref_slice %arg10[%dma_wait3A_518, %dma_wait3A_522] : memref<16x128xi32, #tpu.memory_space<vmem>> -> memref<1x128xi32, #tpu.memory_space<vmem>>
      %dma_wait3A_524 = tpu.memref_squeeze %dma_wait3A_523 : memref<1x128xi32, #tpu.memory_space<vmem>> -> memref<128xi32, #tpu.memory_space<vmem>>
      %dma_wait3A_525 = arith.constant 0 : i32
      %dma_wait3A_526 = arith.constant 0 : i32
      %dma_wait3A_527 = tpu.memref_slice %arg2[%dma_wait3A_525, %dma_wait3A_526] : memref<50008x16xf32, #tpu.memory_space<hbm>> -> memref<50008x16xf32, #tpu.memory_space<hbm>>
      tpu.wait_indirect_dma semaphore(%arg19 : memref<!tpu.dma_semaphore, #tpu.memory_space<semaphore_mem>>) src(%dma_wait3A_527 : memref<50008x16xf32, #tpu.memory_space<hbm>>) dst(%dma_wait3A_521 : memref<128x16xf32, #tpu.memory_space<vmem>>)
      %dma_wait3A_528 = arith.constant 6 : i32
      %dma_wait3A_529 = arith.constant 768 : i32
      %dma_wait3A_530 = arith.constant 0 : i32
      %dma_wait3A_531 = tpu.memref_slice %arg11[%dma_wait3A_529, %dma_wait3A_530] : memref<2048x16xf32, #tpu.memory_space<vmem>> -> memref<128x16xf32, #tpu.memory_space<vmem>>
      %dma_wait3A_532 = arith.constant 0 : i32
      %dma_wait3A_533 = tpu.memref_slice %arg9[%dma_wait3A_528, %dma_wait3A_532] : memref<16x128xi32, #tpu.memory_space<vmem>> -> memref<1x128xi32, #tpu.memory_space<vmem>>
      %dma_wait3A_534 = tpu.memref_squeeze %dma_wait3A_533 : memref<1x128xi32, #tpu.memory_space<vmem>> -> memref<128xi32, #tpu.memory_space<vmem>>
      %dma_wait3A_535 = arith.constant 0 : i32
      %dma_wait3A_536 = arith.constant 0 : i32
      %dma_wait3A_537 = tpu.memref_slice %arg2[%dma_wait3A_535, %dma_wait3A_536] : memref<50008x16xf32, #tpu.memory_space<hbm>> -> memref<50008x16xf32, #tpu.memory_space<hbm>>
      tpu.wait_indirect_dma semaphore(%arg19 : memref<!tpu.dma_semaphore, #tpu.memory_space<semaphore_mem>>) src(%dma_wait3A_537 : memref<50008x16xf32, #tpu.memory_space<hbm>>) dst(%dma_wait3A_531 : memref<128x16xf32, #tpu.memory_space<vmem>>)
      %dma_wait3A_538 = arith.constant 6 : i32
      %dma_wait3A_539 = arith.constant 768 : i32
      %dma_wait3A_540 = arith.constant 0 : i32
      %dma_wait3A_541 = tpu.memref_slice %arg12[%dma_wait3A_539, %dma_wait3A_540] : memref<2048x16xf32, #tpu.memory_space<vmem>> -> memref<128x16xf32, #tpu.memory_space<vmem>>
      %dma_wait3A_542 = arith.constant 0 : i32
      %dma_wait3A_543 = tpu.memref_slice %arg10[%dma_wait3A_538, %dma_wait3A_542] : memref<16x128xi32, #tpu.memory_space<vmem>> -> memref<1x128xi32, #tpu.memory_space<vmem>>
      %dma_wait3A_544 = tpu.memref_squeeze %dma_wait3A_543 : memref<1x128xi32, #tpu.memory_space<vmem>> -> memref<128xi32, #tpu.memory_space<vmem>>
      %dma_wait3A_545 = arith.constant 0 : i32
      %dma_wait3A_546 = arith.constant 0 : i32
      %dma_wait3A_547 = tpu.memref_slice %arg2[%dma_wait3A_545, %dma_wait3A_546] : memref<50008x16xf32, #tpu.memory_space<hbm>> -> memref<50008x16xf32, #tpu.memory_space<hbm>>
      tpu.wait_indirect_dma semaphore(%arg19 : memref<!tpu.dma_semaphore, #tpu.memory_space<semaphore_mem>>) src(%dma_wait3A_547 : memref<50008x16xf32, #tpu.memory_space<hbm>>) dst(%dma_wait3A_541 : memref<128x16xf32, #tpu.memory_space<vmem>>)
      %dma_wait3A_548 = arith.constant 7 : i32
      %dma_wait3A_549 = arith.constant 896 : i32
      %dma_wait3A_550 = arith.constant 0 : i32
      %dma_wait3A_551 = tpu.memref_slice %arg11[%dma_wait3A_549, %dma_wait3A_550] : memref<2048x16xf32, #tpu.memory_space<vmem>> -> memref<128x16xf32, #tpu.memory_space<vmem>>
      %dma_wait3A_552 = arith.constant 0 : i32
      %dma_wait3A_553 = tpu.memref_slice %arg9[%dma_wait3A_548, %dma_wait3A_552] : memref<16x128xi32, #tpu.memory_space<vmem>> -> memref<1x128xi32, #tpu.memory_space<vmem>>
      %dma_wait3A_554 = tpu.memref_squeeze %dma_wait3A_553 : memref<1x128xi32, #tpu.memory_space<vmem>> -> memref<128xi32, #tpu.memory_space<vmem>>
      %dma_wait3A_555 = arith.constant 0 : i32
      %dma_wait3A_556 = arith.constant 0 : i32
      %dma_wait3A_557 = tpu.memref_slice %arg2[%dma_wait3A_555, %dma_wait3A_556] : memref<50008x16xf32, #tpu.memory_space<hbm>> -> memref<50008x16xf32, #tpu.memory_space<hbm>>
      tpu.wait_indirect_dma semaphore(%arg19 : memref<!tpu.dma_semaphore, #tpu.memory_space<semaphore_mem>>) src(%dma_wait3A_557 : memref<50008x16xf32, #tpu.memory_space<hbm>>) dst(%dma_wait3A_551 : memref<128x16xf32, #tpu.memory_space<vmem>>)
      %dma_wait3A_558 = arith.constant 7 : i32
      %dma_wait3A_559 = arith.constant 896 : i32
      %dma_wait3A_560 = arith.constant 0 : i32
      %dma_wait3A_561 = tpu.memref_slice %arg12[%dma_wait3A_559, %dma_wait3A_560] : memref<2048x16xf32, #tpu.memory_space<vmem>> -> memref<128x16xf32, #tpu.memory_space<vmem>>
      %dma_wait3A_562 = arith.constant 0 : i32
      %dma_wait3A_563 = tpu.memref_slice %arg10[%dma_wait3A_558, %dma_wait3A_562] : memref<16x128xi32, #tpu.memory_space<vmem>> -> memref<1x128xi32, #tpu.memory_space<vmem>>
      %dma_wait3A_564 = tpu.memref_squeeze %dma_wait3A_563 : memref<1x128xi32, #tpu.memory_space<vmem>> -> memref<128xi32, #tpu.memory_space<vmem>>
      %dma_wait3A_565 = arith.constant 0 : i32
      %dma_wait3A_566 = arith.constant 0 : i32
      %dma_wait3A_567 = tpu.memref_slice %arg2[%dma_wait3A_565, %dma_wait3A_566] : memref<50008x16xf32, #tpu.memory_space<hbm>> -> memref<50008x16xf32, #tpu.memory_space<hbm>>
      tpu.wait_indirect_dma semaphore(%arg19 : memref<!tpu.dma_semaphore, #tpu.memory_space<semaphore_mem>>) src(%dma_wait3A_567 : memref<50008x16xf32, #tpu.memory_space<hbm>>) dst(%dma_wait3A_561 : memref<128x16xf32, #tpu.memory_space<vmem>>)
      %dma_wait3A_568 = arith.constant 8 : i32
      %dma_wait3A_569 = arith.constant 1024 : i32
      %dma_wait3A_570 = arith.constant 0 : i32
      %dma_wait3A_571 = tpu.memref_slice %arg11[%dma_wait3A_569, %dma_wait3A_570] : memref<2048x16xf32, #tpu.memory_space<vmem>> -> memref<128x16xf32, #tpu.memory_space<vmem>>
      %dma_wait3A_572 = arith.constant 0 : i32
      %dma_wait3A_573 = tpu.memref_slice %arg9[%dma_wait3A_568, %dma_wait3A_572] : memref<16x128xi32, #tpu.memory_space<vmem>> -> memref<1x128xi32, #tpu.memory_space<vmem>>
      %dma_wait3A_574 = tpu.memref_squeeze %dma_wait3A_573 : memref<1x128xi32, #tpu.memory_space<vmem>> -> memref<128xi32, #tpu.memory_space<vmem>>
      %dma_wait3A_575 = arith.constant 0 : i32
      %dma_wait3A_576 = arith.constant 0 : i32
      %dma_wait3A_577 = tpu.memref_slice %arg2[%dma_wait3A_575, %dma_wait3A_576] : memref<50008x16xf32, #tpu.memory_space<hbm>> -> memref<50008x16xf32, #tpu.memory_space<hbm>>
      tpu.wait_indirect_dma semaphore(%arg19 : memref<!tpu.dma_semaphore, #tpu.memory_space<semaphore_mem>>) src(%dma_wait3A_577 : memref<50008x16xf32, #tpu.memory_space<hbm>>) dst(%dma_wait3A_571 : memref<128x16xf32, #tpu.memory_space<vmem>>)
      %dma_wait3A_578 = arith.constant 8 : i32
      %dma_wait3A_579 = arith.constant 1024 : i32
      %dma_wait3A_580 = arith.constant 0 : i32
      %dma_wait3A_581 = tpu.memref_slice %arg12[%dma_wait3A_579, %dma_wait3A_580] : memref<2048x16xf32, #tpu.memory_space<vmem>> -> memref<128x16xf32, #tpu.memory_space<vmem>>
      %dma_wait3A_582 = arith.constant 0 : i32
      %dma_wait3A_583 = tpu.memref_slice %arg10[%dma_wait3A_578, %dma_wait3A_582] : memref<16x128xi32, #tpu.memory_space<vmem>> -> memref<1x128xi32, #tpu.memory_space<vmem>>
      %dma_wait3A_584 = tpu.memref_squeeze %dma_wait3A_583 : memref<1x128xi32, #tpu.memory_space<vmem>> -> memref<128xi32, #tpu.memory_space<vmem>>
      %dma_wait3A_585 = arith.constant 0 : i32
      %dma_wait3A_586 = arith.constant 0 : i32
      %dma_wait3A_587 = tpu.memref_slice %arg2[%dma_wait3A_585, %dma_wait3A_586] : memref<50008x16xf32, #tpu.memory_space<hbm>> -> memref<50008x16xf32, #tpu.memory_space<hbm>>
      tpu.wait_indirect_dma semaphore(%arg19 : memref<!tpu.dma_semaphore, #tpu.memory_space<semaphore_mem>>) src(%dma_wait3A_587 : memref<50008x16xf32, #tpu.memory_space<hbm>>) dst(%dma_wait3A_581 : memref<128x16xf32, #tpu.memory_space<vmem>>)
      %dma_wait3A_588 = arith.constant 9 : i32
      %dma_wait3A_589 = arith.constant 1152 : i32
      %dma_wait3A_590 = arith.constant 0 : i32
      %dma_wait3A_591 = tpu.memref_slice %arg11[%dma_wait3A_589, %dma_wait3A_590] : memref<2048x16xf32, #tpu.memory_space<vmem>> -> memref<128x16xf32, #tpu.memory_space<vmem>>
      %dma_wait3A_592 = arith.constant 0 : i32
      %dma_wait3A_593 = tpu.memref_slice %arg9[%dma_wait3A_588, %dma_wait3A_592] : memref<16x128xi32, #tpu.memory_space<vmem>> -> memref<1x128xi32, #tpu.memory_space<vmem>>
      %dma_wait3A_594 = tpu.memref_squeeze %dma_wait3A_593 : memref<1x128xi32, #tpu.memory_space<vmem>> -> memref<128xi32, #tpu.memory_space<vmem>>
      %dma_wait3A_595 = arith.constant 0 : i32
      %dma_wait3A_596 = arith.constant 0 : i32
      %dma_wait3A_597 = tpu.memref_slice %arg2[%dma_wait3A_595, %dma_wait3A_596] : memref<50008x16xf32, #tpu.memory_space<hbm>> -> memref<50008x16xf32, #tpu.memory_space<hbm>>
      tpu.wait_indirect_dma semaphore(%arg19 : memref<!tpu.dma_semaphore, #tpu.memory_space<semaphore_mem>>) src(%dma_wait3A_597 : memref<50008x16xf32, #tpu.memory_space<hbm>>) dst(%dma_wait3A_591 : memref<128x16xf32, #tpu.memory_space<vmem>>)
      %dma_wait3A_598 = arith.constant 9 : i32
      %dma_wait3A_599 = arith.constant 1152 : i32
      %dma_wait3A_600 = arith.constant 0 : i32
      %dma_wait3A_601 = tpu.memref_slice %arg12[%dma_wait3A_599, %dma_wait3A_600] : memref<2048x16xf32, #tpu.memory_space<vmem>> -> memref<128x16xf32, #tpu.memory_space<vmem>>
      %dma_wait3A_602 = arith.constant 0 : i32
      %dma_wait3A_603 = tpu.memref_slice %arg10[%dma_wait3A_598, %dma_wait3A_602] : memref<16x128xi32, #tpu.memory_space<vmem>> -> memref<1x128xi32, #tpu.memory_space<vmem>>
      %dma_wait3A_604 = tpu.memref_squeeze %dma_wait3A_603 : memref<1x128xi32, #tpu.memory_space<vmem>> -> memref<128xi32, #tpu.memory_space<vmem>>
      %dma_wait3A_605 = arith.constant 0 : i32
      %dma_wait3A_606 = arith.constant 0 : i32
      %dma_wait3A_607 = tpu.memref_slice %arg2[%dma_wait3A_605, %dma_wait3A_606] : memref<50008x16xf32, #tpu.memory_space<hbm>> -> memref<50008x16xf32, #tpu.memory_space<hbm>>
      tpu.wait_indirect_dma semaphore(%arg19 : memref<!tpu.dma_semaphore, #tpu.memory_space<semaphore_mem>>) src(%dma_wait3A_607 : memref<50008x16xf32, #tpu.memory_space<hbm>>) dst(%dma_wait3A_601 : memref<128x16xf32, #tpu.memory_space<vmem>>)
      %dma_wait3A_608 = arith.constant 10 : i32
      %dma_wait3A_609 = arith.constant 1280 : i32
      %dma_wait3A_610 = arith.constant 0 : i32
      %dma_wait3A_611 = tpu.memref_slice %arg11[%dma_wait3A_609, %dma_wait3A_610] : memref<2048x16xf32, #tpu.memory_space<vmem>> -> memref<128x16xf32, #tpu.memory_space<vmem>>
      %dma_wait3A_612 = arith.constant 0 : i32
      %dma_wait3A_613 = tpu.memref_slice %arg9[%dma_wait3A_608, %dma_wait3A_612] : memref<16x128xi32, #tpu.memory_space<vmem>> -> memref<1x128xi32, #tpu.memory_space<vmem>>
      %dma_wait3A_614 = tpu.memref_squeeze %dma_wait3A_613 : memref<1x128xi32, #tpu.memory_space<vmem>> -> memref<128xi32, #tpu.memory_space<vmem>>
      %dma_wait3A_615 = arith.constant 0 : i32
      %dma_wait3A_616 = arith.constant 0 : i32
      %dma_wait3A_617 = tpu.memref_slice %arg2[%dma_wait3A_615, %dma_wait3A_616] : memref<50008x16xf32, #tpu.memory_space<hbm>> -> memref<50008x16xf32, #tpu.memory_space<hbm>>
      tpu.wait_indirect_dma semaphore(%arg19 : memref<!tpu.dma_semaphore, #tpu.memory_space<semaphore_mem>>) src(%dma_wait3A_617 : memref<50008x16xf32, #tpu.memory_space<hbm>>) dst(%dma_wait3A_611 : memref<128x16xf32, #tpu.memory_space<vmem>>)
      %dma_wait3A_618 = arith.constant 10 : i32
      %dma_wait3A_619 = arith.constant 1280 : i32
      %dma_wait3A_620 = arith.constant 0 : i32
      %dma_wait3A_621 = tpu.memref_slice %arg12[%dma_wait3A_619, %dma_wait3A_620] : memref<2048x16xf32, #tpu.memory_space<vmem>> -> memref<128x16xf32, #tpu.memory_space<vmem>>
      %dma_wait3A_622 = arith.constant 0 : i32
      %dma_wait3A_623 = tpu.memref_slice %arg10[%dma_wait3A_618, %dma_wait3A_622] : memref<16x128xi32, #tpu.memory_space<vmem>> -> memref<1x128xi32, #tpu.memory_space<vmem>>
      %dma_wait3A_624 = tpu.memref_squeeze %dma_wait3A_623 : memref<1x128xi32, #tpu.memory_space<vmem>> -> memref<128xi32, #tpu.memory_space<vmem>>
      %dma_wait3A_625 = arith.constant 0 : i32
      %dma_wait3A_626 = arith.constant 0 : i32
      %dma_wait3A_627 = tpu.memref_slice %arg2[%dma_wait3A_625, %dma_wait3A_626] : memref<50008x16xf32, #tpu.memory_space<hbm>> -> memref<50008x16xf32, #tpu.memory_space<hbm>>
      tpu.wait_indirect_dma semaphore(%arg19 : memref<!tpu.dma_semaphore, #tpu.memory_space<semaphore_mem>>) src(%dma_wait3A_627 : memref<50008x16xf32, #tpu.memory_space<hbm>>) dst(%dma_wait3A_621 : memref<128x16xf32, #tpu.memory_space<vmem>>)
      %dma_wait3A_628 = arith.constant 11 : i32
      %dma_wait3A_629 = arith.constant 1408 : i32
      %dma_wait3A_630 = arith.constant 0 : i32
      %dma_wait3A_631 = tpu.memref_slice %arg11[%dma_wait3A_629, %dma_wait3A_630] : memref<2048x16xf32, #tpu.memory_space<vmem>> -> memref<128x16xf32, #tpu.memory_space<vmem>>
      %dma_wait3A_632 = arith.constant 0 : i32
      %dma_wait3A_633 = tpu.memref_slice %arg9[%dma_wait3A_628, %dma_wait3A_632] : memref<16x128xi32, #tpu.memory_space<vmem>> -> memref<1x128xi32, #tpu.memory_space<vmem>>
      %dma_wait3A_634 = tpu.memref_squeeze %dma_wait3A_633 : memref<1x128xi32, #tpu.memory_space<vmem>> -> memref<128xi32, #tpu.memory_space<vmem>>
      %dma_wait3A_635 = arith.constant 0 : i32
      %dma_wait3A_636 = arith.constant 0 : i32
      %dma_wait3A_637 = tpu.memref_slice %arg2[%dma_wait3A_635, %dma_wait3A_636] : memref<50008x16xf32, #tpu.memory_space<hbm>> -> memref<50008x16xf32, #tpu.memory_space<hbm>>
      tpu.wait_indirect_dma semaphore(%arg19 : memref<!tpu.dma_semaphore, #tpu.memory_space<semaphore_mem>>) src(%dma_wait3A_637 : memref<50008x16xf32, #tpu.memory_space<hbm>>) dst(%dma_wait3A_631 : memref<128x16xf32, #tpu.memory_space<vmem>>)
      %dma_wait3A_638 = arith.constant 11 : i32
      %dma_wait3A_639 = arith.constant 1408 : i32
      %dma_wait3A_640 = arith.constant 0 : i32
      %dma_wait3A_641 = tpu.memref_slice %arg12[%dma_wait3A_639, %dma_wait3A_640] : memref<2048x16xf32, #tpu.memory_space<vmem>> -> memref<128x16xf32, #tpu.memory_space<vmem>>
      %dma_wait3A_642 = arith.constant 0 : i32
      %dma_wait3A_643 = tpu.memref_slice %arg10[%dma_wait3A_638, %dma_wait3A_642] : memref<16x128xi32, #tpu.memory_space<vmem>> -> memref<1x128xi32, #tpu.memory_space<vmem>>
      %dma_wait3A_644 = tpu.memref_squeeze %dma_wait3A_643 : memref<1x128xi32, #tpu.memory_space<vmem>> -> memref<128xi32, #tpu.memory_space<vmem>>
      %dma_wait3A_645 = arith.constant 0 : i32
      %dma_wait3A_646 = arith.constant 0 : i32
      %dma_wait3A_647 = tpu.memref_slice %arg2[%dma_wait3A_645, %dma_wait3A_646] : memref<50008x16xf32, #tpu.memory_space<hbm>> -> memref<50008x16xf32, #tpu.memory_space<hbm>>
      tpu.wait_indirect_dma semaphore(%arg19 : memref<!tpu.dma_semaphore, #tpu.memory_space<semaphore_mem>>) src(%dma_wait3A_647 : memref<50008x16xf32, #tpu.memory_space<hbm>>) dst(%dma_wait3A_641 : memref<128x16xf32, #tpu.memory_space<vmem>>)
      %dma_wait3A_648 = arith.constant 12 : i32
      %dma_wait3A_649 = arith.constant 1536 : i32
      %dma_wait3A_650 = arith.constant 0 : i32
      %dma_wait3A_651 = tpu.memref_slice %arg11[%dma_wait3A_649, %dma_wait3A_650] : memref<2048x16xf32, #tpu.memory_space<vmem>> -> memref<128x16xf32, #tpu.memory_space<vmem>>
      %dma_wait3A_652 = arith.constant 0 : i32
      %dma_wait3A_653 = tpu.memref_slice %arg9[%dma_wait3A_648, %dma_wait3A_652] : memref<16x128xi32, #tpu.memory_space<vmem>> -> memref<1x128xi32, #tpu.memory_space<vmem>>
      %dma_wait3A_654 = tpu.memref_squeeze %dma_wait3A_653 : memref<1x128xi32, #tpu.memory_space<vmem>> -> memref<128xi32, #tpu.memory_space<vmem>>
      %dma_wait3A_655 = arith.constant 0 : i32
      %dma_wait3A_656 = arith.constant 0 : i32
      %dma_wait3A_657 = tpu.memref_slice %arg2[%dma_wait3A_655, %dma_wait3A_656] : memref<50008x16xf32, #tpu.memory_space<hbm>> -> memref<50008x16xf32, #tpu.memory_space<hbm>>
      tpu.wait_indirect_dma semaphore(%arg19 : memref<!tpu.dma_semaphore, #tpu.memory_space<semaphore_mem>>) src(%dma_wait3A_657 : memref<50008x16xf32, #tpu.memory_space<hbm>>) dst(%dma_wait3A_651 : memref<128x16xf32, #tpu.memory_space<vmem>>)
      %dma_wait3A_658 = arith.constant 12 : i32
      %dma_wait3A_659 = arith.constant 1536 : i32
      %dma_wait3A_660 = arith.constant 0 : i32
      %dma_wait3A_661 = tpu.memref_slice %arg12[%dma_wait3A_659, %dma_wait3A_660] : memref<2048x16xf32, #tpu.memory_space<vmem>> -> memref<128x16xf32, #tpu.memory_space<vmem>>
      %dma_wait3A_662 = arith.constant 0 : i32
      %dma_wait3A_663 = tpu.memref_slice %arg10[%dma_wait3A_658, %dma_wait3A_662] : memref<16x128xi32, #tpu.memory_space<vmem>> -> memref<1x128xi32, #tpu.memory_space<vmem>>
      %dma_wait3A_664 = tpu.memref_squeeze %dma_wait3A_663 : memref<1x128xi32, #tpu.memory_space<vmem>> -> memref<128xi32, #tpu.memory_space<vmem>>
      %dma_wait3A_665 = arith.constant 0 : i32
      %dma_wait3A_666 = arith.constant 0 : i32
      %dma_wait3A_667 = tpu.memref_slice %arg2[%dma_wait3A_665, %dma_wait3A_666] : memref<50008x16xf32, #tpu.memory_space<hbm>> -> memref<50008x16xf32, #tpu.memory_space<hbm>>
      tpu.wait_indirect_dma semaphore(%arg19 : memref<!tpu.dma_semaphore, #tpu.memory_space<semaphore_mem>>) src(%dma_wait3A_667 : memref<50008x16xf32, #tpu.memory_space<hbm>>) dst(%dma_wait3A_661 : memref<128x16xf32, #tpu.memory_space<vmem>>)
      %dma_wait3A_668 = arith.constant 13 : i32
      %dma_wait3A_669 = arith.constant 1664 : i32
      %dma_wait3A_670 = arith.constant 0 : i32
      %dma_wait3A_671 = tpu.memref_slice %arg11[%dma_wait3A_669, %dma_wait3A_670] : memref<2048x16xf32, #tpu.memory_space<vmem>> -> memref<128x16xf32, #tpu.memory_space<vmem>>
      %dma_wait3A_672 = arith.constant 0 : i32
      %dma_wait3A_673 = tpu.memref_slice %arg9[%dma_wait3A_668, %dma_wait3A_672] : memref<16x128xi32, #tpu.memory_space<vmem>> -> memref<1x128xi32, #tpu.memory_space<vmem>>
      %dma_wait3A_674 = tpu.memref_squeeze %dma_wait3A_673 : memref<1x128xi32, #tpu.memory_space<vmem>> -> memref<128xi32, #tpu.memory_space<vmem>>
      %dma_wait3A_675 = arith.constant 0 : i32
      %dma_wait3A_676 = arith.constant 0 : i32
      %dma_wait3A_677 = tpu.memref_slice %arg2[%dma_wait3A_675, %dma_wait3A_676] : memref<50008x16xf32, #tpu.memory_space<hbm>> -> memref<50008x16xf32, #tpu.memory_space<hbm>>
      tpu.wait_indirect_dma semaphore(%arg19 : memref<!tpu.dma_semaphore, #tpu.memory_space<semaphore_mem>>) src(%dma_wait3A_677 : memref<50008x16xf32, #tpu.memory_space<hbm>>) dst(%dma_wait3A_671 : memref<128x16xf32, #tpu.memory_space<vmem>>)
      %dma_wait3A_678 = arith.constant 13 : i32
      %dma_wait3A_679 = arith.constant 1664 : i32
      %dma_wait3A_680 = arith.constant 0 : i32
      %dma_wait3A_681 = tpu.memref_slice %arg12[%dma_wait3A_679, %dma_wait3A_680] : memref<2048x16xf32, #tpu.memory_space<vmem>> -> memref<128x16xf32, #tpu.memory_space<vmem>>
      %dma_wait3A_682 = arith.constant 0 : i32
      %dma_wait3A_683 = tpu.memref_slice %arg10[%dma_wait3A_678, %dma_wait3A_682] : memref<16x128xi32, #tpu.memory_space<vmem>> -> memref<1x128xi32, #tpu.memory_space<vmem>>
      %dma_wait3A_684 = tpu.memref_squeeze %dma_wait3A_683 : memref<1x128xi32, #tpu.memory_space<vmem>> -> memref<128xi32, #tpu.memory_space<vmem>>
      %dma_wait3A_685 = arith.constant 0 : i32
      %dma_wait3A_686 = arith.constant 0 : i32
      %dma_wait3A_687 = tpu.memref_slice %arg2[%dma_wait3A_685, %dma_wait3A_686] : memref<50008x16xf32, #tpu.memory_space<hbm>> -> memref<50008x16xf32, #tpu.memory_space<hbm>>
      tpu.wait_indirect_dma semaphore(%arg19 : memref<!tpu.dma_semaphore, #tpu.memory_space<semaphore_mem>>) src(%dma_wait3A_687 : memref<50008x16xf32, #tpu.memory_space<hbm>>) dst(%dma_wait3A_681 : memref<128x16xf32, #tpu.memory_space<vmem>>)
      %dma_wait3A_688 = arith.constant 14 : i32
      %dma_wait3A_689 = arith.constant 1792 : i32
      %dma_wait3A_690 = arith.constant 0 : i32
      %dma_wait3A_691 = tpu.memref_slice %arg11[%dma_wait3A_689, %dma_wait3A_690] : memref<2048x16xf32, #tpu.memory_space<vmem>> -> memref<128x16xf32, #tpu.memory_space<vmem>>
      %dma_wait3A_692 = arith.constant 0 : i32
      %dma_wait3A_693 = tpu.memref_slice %arg9[%dma_wait3A_688, %dma_wait3A_692] : memref<16x128xi32, #tpu.memory_space<vmem>> -> memref<1x128xi32, #tpu.memory_space<vmem>>
      %dma_wait3A_694 = tpu.memref_squeeze %dma_wait3A_693 : memref<1x128xi32, #tpu.memory_space<vmem>> -> memref<128xi32, #tpu.memory_space<vmem>>
      %dma_wait3A_695 = arith.constant 0 : i32
      %dma_wait3A_696 = arith.constant 0 : i32
      %dma_wait3A_697 = tpu.memref_slice %arg2[%dma_wait3A_695, %dma_wait3A_696] : memref<50008x16xf32, #tpu.memory_space<hbm>> -> memref<50008x16xf32, #tpu.memory_space<hbm>>
      tpu.wait_indirect_dma semaphore(%arg19 : memref<!tpu.dma_semaphore, #tpu.memory_space<semaphore_mem>>) src(%dma_wait3A_697 : memref<50008x16xf32, #tpu.memory_space<hbm>>) dst(%dma_wait3A_691 : memref<128x16xf32, #tpu.memory_space<vmem>>)
      %dma_wait3A_698 = arith.constant 14 : i32
      %dma_wait3A_699 = arith.constant 1792 : i32
      %dma_wait3A_700 = arith.constant 0 : i32
      %dma_wait3A_701 = tpu.memref_slice %arg12[%dma_wait3A_699, %dma_wait3A_700] : memref<2048x16xf32, #tpu.memory_space<vmem>> -> memref<128x16xf32, #tpu.memory_space<vmem>>
      %dma_wait3A_702 = arith.constant 0 : i32
      %dma_wait3A_703 = tpu.memref_slice %arg10[%dma_wait3A_698, %dma_wait3A_702] : memref<16x128xi32, #tpu.memory_space<vmem>> -> memref<1x128xi32, #tpu.memory_space<vmem>>
      %dma_wait3A_704 = tpu.memref_squeeze %dma_wait3A_703 : memref<1x128xi32, #tpu.memory_space<vmem>> -> memref<128xi32, #tpu.memory_space<vmem>>
      %dma_wait3A_705 = arith.constant 0 : i32
      %dma_wait3A_706 = arith.constant 0 : i32
      %dma_wait3A_707 = tpu.memref_slice %arg2[%dma_wait3A_705, %dma_wait3A_706] : memref<50008x16xf32, #tpu.memory_space<hbm>> -> memref<50008x16xf32, #tpu.memory_space<hbm>>
      tpu.wait_indirect_dma semaphore(%arg19 : memref<!tpu.dma_semaphore, #tpu.memory_space<semaphore_mem>>) src(%dma_wait3A_707 : memref<50008x16xf32, #tpu.memory_space<hbm>>) dst(%dma_wait3A_701 : memref<128x16xf32, #tpu.memory_space<vmem>>)
      %dma_wait3A_708 = arith.constant 15 : i32
      %dma_wait3A_709 = arith.constant 1920 : i32
      %dma_wait3A_710 = arith.constant 0 : i32
      %dma_wait3A_711 = tpu.memref_slice %arg11[%dma_wait3A_709, %dma_wait3A_710] : memref<2048x16xf32, #tpu.memory_space<vmem>> -> memref<128x16xf32, #tpu.memory_space<vmem>>
      %dma_wait3A_712 = arith.constant 0 : i32
      %dma_wait3A_713 = tpu.memref_slice %arg9[%dma_wait3A_708, %dma_wait3A_712] : memref<16x128xi32, #tpu.memory_space<vmem>> -> memref<1x128xi32, #tpu.memory_space<vmem>>
      %dma_wait3A_714 = tpu.memref_squeeze %dma_wait3A_713 : memref<1x128xi32, #tpu.memory_space<vmem>> -> memref<128xi32, #tpu.memory_space<vmem>>
      %dma_wait3A_715 = arith.constant 0 : i32
      %dma_wait3A_716 = arith.constant 0 : i32
      %dma_wait3A_717 = tpu.memref_slice %arg2[%dma_wait3A_715, %dma_wait3A_716] : memref<50008x16xf32, #tpu.memory_space<hbm>> -> memref<50008x16xf32, #tpu.memory_space<hbm>>
      tpu.wait_indirect_dma semaphore(%arg19 : memref<!tpu.dma_semaphore, #tpu.memory_space<semaphore_mem>>) src(%dma_wait3A_717 : memref<50008x16xf32, #tpu.memory_space<hbm>>) dst(%dma_wait3A_711 : memref<128x16xf32, #tpu.memory_space<vmem>>)
      %dma_wait3A_718 = arith.constant 15 : i32
      %dma_wait3A_719 = arith.constant 1920 : i32
      %dma_wait3A_720 = arith.constant 0 : i32
      %dma_wait3A_721 = tpu.memref_slice %arg12[%dma_wait3A_719, %dma_wait3A_720] : memref<2048x16xf32, #tpu.memory_space<vmem>> -> memref<128x16xf32, #tpu.memory_space<vmem>>
      %dma_wait3A_722 = arith.constant 0 : i32
      %dma_wait3A_723 = tpu.memref_slice %arg10[%dma_wait3A_718, %dma_wait3A_722] : memref<16x128xi32, #tpu.memory_space<vmem>> -> memref<1x128xi32, #tpu.memory_space<vmem>>
      %dma_wait3A_724 = tpu.memref_squeeze %dma_wait3A_723 : memref<1x128xi32, #tpu.memory_space<vmem>> -> memref<128xi32, #tpu.memory_space<vmem>>
      %dma_wait3A_725 = arith.constant 0 : i32
      %dma_wait3A_726 = arith.constant 0 : i32
      %dma_wait3A_727 = tpu.memref_slice %arg2[%dma_wait3A_725, %dma_wait3A_726] : memref<50008x16xf32, #tpu.memory_space<hbm>> -> memref<50008x16xf32, #tpu.memory_space<hbm>>
      tpu.wait_indirect_dma semaphore(%arg19 : memref<!tpu.dma_semaphore, #tpu.memory_space<semaphore_mem>>) src(%dma_wait3A_727 : memref<50008x16xf32, #tpu.memory_space<hbm>>) dst(%dma_wait3A_721 : memref<128x16xf32, #tpu.memory_space<vmem>>)
      %scan3A_728 = arith.constant 0 : i32
      %scan3A_729 = arith.constant 128 : i32
      %scan3A_730 = arith.addi %scan3A_728, %scan3A_729 : i32
      %scan3A_731 = arith.constant 1 : i32
      scf.for %scan3A_733 = %scan3A_728 to %scan3A_730 step %scan3A_731  : i32 {
        %mul3A_734 = arith.constant 1 : i32
        %mul3A_735 = arith.muli %scan3A_733, %mul3A_734 : i32
        %add3A_736 = arith.constant 0 : i32
        %add3A_737 = arith.addi %add3A_736, %mul3A_735 : i32
        %mul3A_738 = arith.constant 16 : i32
        %mul3A_739 = arith.muli %add3A_737, %mul3A_738 : i32
        %add3A_740 = vector.broadcast %mul3A_739 : i32 to vector<16xi32>
        %add3A_741 = arith.addi %add3A_740, %iota3A : vector<16xi32>
        %broadcast_in_dim3A = arith.constant 0 : i32
        %broadcast_in_dim3A_742 = vector.broadcast %broadcast_in_dim3A : i32 to vector<16xi32>
        %gather3A = tpu.vector_load_idx %arg11[%add3A_741, %broadcast_in_dim3A_742] : memref<2048x16xf32, #tpu.memory_space<vmem>>[vector<16xi32>, vector<16xi32>], vector<16xf32>,
        %broadcast_in_dim3A_743 = arith.constant 1 : i32
        %broadcast_in_dim3A_744 = vector.broadcast %broadcast_in_dim3A_743 : i32 to vector<16xi32>
        %gather3A_745 = tpu.vector_load_idx %arg11[%add3A_741, %broadcast_in_dim3A_744] : memref<2048x16xf32, #tpu.memory_space<vmem>>[vector<16xi32>, vector<16xi32>], vector<16xf32>,
        %broadcast_in_dim3A_746 = arith.constant 2 : i32
        %broadcast_in_dim3A_747 = vector.broadcast %broadcast_in_dim3A_746 : i32 to vector<16xi32>
        %gather3A_748 = tpu.vector_load_idx %arg11[%add3A_741, %broadcast_in_dim3A_747] : memref<2048x16xf32, #tpu.memory_space<vmem>>[vector<16xi32>, vector<16xi32>], vector<16xf32>,
        %broadcast_in_dim3A_749 = arith.constant 0 : i32
        %broadcast_in_dim3A_750 = vector.broadcast %broadcast_in_dim3A_749 : i32 to vector<16xi32>
        %gather3A_751 = tpu.vector_load_idx %arg12[%add3A_741, %broadcast_in_dim3A_750] : memref<2048x16xf32, #tpu.memory_space<vmem>>[vector<16xi32>, vector<16xi32>], vector<16xf32>,
        %broadcast_in_dim3A_752 = arith.constant 1 : i32
        %broadcast_in_dim3A_753 = vector.broadcast %broadcast_in_dim3A_752 : i32 to vector<16xi32>
        %gather3A_754 = tpu.vector_load_idx %arg12[%add3A_741, %broadcast_in_dim3A_753] : memref<2048x16xf32, #tpu.memory_space<vmem>>[vector<16xi32>, vector<16xi32>], vector<16xf32>,
        %broadcast_in_dim3A_755 = arith.constant 2 : i32
        %broadcast_in_dim3A_756 = vector.broadcast %broadcast_in_dim3A_755 : i32 to vector<16xi32>
        %gather3A_757 = tpu.vector_load_idx %arg12[%add3A_741, %broadcast_in_dim3A_756] : memref<2048x16xf32, #tpu.memory_space<vmem>>[vector<16xi32>, vector<16xi32>], vector<16xf32>,
        %mul3A_758 = arith.constant 16 : i32
        %mul3A_759 = arith.muli %add3A_737, %mul3A_758 : i32
        %get3A_760 = arith.index_cast %mul3A_759 : i32 to index
        %get3A_761 = tpu.vector_load %arg13[%get3A_760] {strides = array<i32>} : memref<2048xi32, #tpu.memory_space<vmem>>, vector<16xi32>,
        %convert_element_type3A = arith.sitofp %get3A_761 : vector<16xi32> to vector<16xf32>
        %get3A_762 = arith.index_cast %mul3A_759 : i32 to index
        %get3A_763 = tpu.vector_load %arg14[%get3A_762] {strides = array<i32>} : memref<2048xi32, #tpu.memory_space<vmem>>, vector<16xi32>,
        %convert_element_type3A_764 = arith.sitofp %get3A_763 : vector<16xi32> to vector<16xf32>
        %get3A_765 = arith.index_cast %mul3A_759 : i32 to index
        %get3A_766 = tpu.vector_load %arg15[%get3A_765] {strides = array<i32>} : memref<2048xi32, #tpu.memory_space<vmem>>, vector<16xi32>,
        %convert_element_type3A_767 = arith.sitofp %get3A_766 : vector<16xi32> to vector<16xf32>
        %sub3A_768 = arith.subf %gather3A_751, %gather3A : vector<16xf32>
        %mul3A_769 = vector.broadcast %squeeze3A : f32 to vector<16xf32>
        %mul3A_770 = arith.mulf %convert_element_type3A, %mul3A_769 : vector<16xf32>
        %mul3A_771 = vector.broadcast %squeeze3A_21 : f32 to vector<16xf32>
        %mul3A_772 = arith.mulf %convert_element_type3A_764, %mul3A_771 : vector<16xf32>
        %add3A_773 = arith.addf %mul3A_770, %mul3A_772 : vector<16xf32>
        %mul3A_774 = vector.broadcast %squeeze3A_27 : f32 to vector<16xf32>
        %mul3A_775 = arith.mulf %convert_element_type3A_767, %mul3A_774 : vector<16xf32>
        %add3A_776 = arith.addf %add3A_773, %mul3A_775 : vector<16xf32>
        %add3A_777 = arith.addf %sub3A_768, %add3A_776 : vector<16xf32>
        %sub3A_778 = arith.subf %gather3A_754, %gather3A_745 : vector<16xf32>
        %mul3A_779 = vector.broadcast %squeeze3A_17 : f32 to vector<16xf32>
        %mul3A_780 = arith.mulf %convert_element_type3A, %mul3A_779 : vector<16xf32>
        %mul3A_781 = vector.broadcast %squeeze3A_23 : f32 to vector<16xf32>
        %mul3A_782 = arith.mulf %convert_element_type3A_764, %mul3A_781 : vector<16xf32>
        %add3A_783 = arith.addf %mul3A_780, %mul3A_782 : vector<16xf32>
        %mul3A_784 = vector.broadcast %squeeze3A_29 : f32 to vector<16xf32>
        %mul3A_785 = arith.mulf %convert_element_type3A_767, %mul3A_784 : vector<16xf32>
        %add3A_786 = arith.addf %add3A_783, %mul3A_785 : vector<16xf32>
        %add3A_787 = arith.addf %sub3A_778, %add3A_786 : vector<16xf32>
        %sub3A_788 = arith.subf %gather3A_757, %gather3A_748 : vector<16xf32>
        %mul3A_789 = vector.broadcast %squeeze3A_19 : f32 to vector<16xf32>
        %mul3A_790 = arith.mulf %convert_element_type3A, %mul3A_789 : vector<16xf32>
        %mul3A_791 = vector.broadcast %squeeze3A_25 : f32 to vector<16xf32>
        %mul3A_792 = arith.mulf %convert_element_type3A_764, %mul3A_791 : vector<16xf32>
        %add3A_793 = arith.addf %mul3A_790, %mul3A_792 : vector<16xf32>
        %mul3A_794 = vector.broadcast %squeeze3A_31 : f32 to vector<16xf32>
        %mul3A_795 = arith.mulf %convert_element_type3A_767, %mul3A_794 : vector<16xf32>
        %add3A_796 = arith.addf %add3A_793, %mul3A_795 : vector<16xf32>
        %add3A_797 = arith.addf %sub3A_788, %add3A_796 : vector<16xf32>
        %mul3A_798 = arith.mulf %add3A_777, %add3A_777 : vector<16xf32>
        %mul3A_799 = arith.mulf %add3A_787, %add3A_787 : vector<16xf32>
        %add3A_800 = arith.addf %mul3A_798, %mul3A_799 : vector<16xf32>
        %mul3A_801 = arith.mulf %add3A_797, %add3A_797 : vector<16xf32>
        %add3A_802 = arith.addf %add3A_800, %mul3A_801 : vector<16xf32>
        %swap3A = arith.index_cast %mul3A_759 : i32 to index
        %swap3A_803 = tpu.vector_load %arg16[%swap3A] {strides = array<i32>} : memref<2048xf32, #tpu.memory_space<vmem>>, vector<16xf32>,
        tpu.vector_store %arg16[%swap3A], %add3A_802 {strides = array<i32>} : memref<2048xf32, #tpu.memory_space<vmem>>, vector<16xf32>,
      }
      %scan3A_732 = arith.constant 128 : i32
      "tpu.region"() ({
        %run_scoped3A = tpu.sem_alloc : memref<!tpu.dma_semaphore, #tpu.memory_space<semaphore_mem>>
        %dma_start3A_733 = tpu.memref_slice %arg8[%add3A_43] : memref<1638400xf32, #tpu.memory_space<hbm>> -> memref<2048xf32, #tpu.memory_space<hbm>>
        %dma_start3A_734 = tpu.memref_slice %arg8[%add3A_43] : memref<1638400xf32, #tpu.memory_space<hbm>> -> memref<2048xf32, #tpu.memory_space<hbm>>
        tpu.enqueue_dma source(%arg16 : memref<2048xf32, #tpu.memory_space<vmem>>) target(%dma_start3A_734 : memref<2048xf32, #tpu.memory_space<hbm>>) target_semaphore(%run_scoped3A : memref<!tpu.dma_semaphore, #tpu.memory_space<semaphore_mem>>)
        %dma_wait3A_735 = tpu.memref_slice %arg8[%add3A_43] : memref<1638400xf32, #tpu.memory_space<hbm>> -> memref<2048xf32, #tpu.memory_space<hbm>>
        %dma_wait3A_736 = tpu.memref_slice %arg8[%add3A_43] : memref<1638400xf32, #tpu.memory_space<hbm>> -> memref<2048xf32, #tpu.memory_space<hbm>>
        tpu.wait_dma2 semaphore(%run_scoped3A : memref<!tpu.dma_semaphore, #tpu.memory_space<semaphore_mem>>) src(%arg16 : memref<2048xf32, #tpu.memory_space<vmem>>) dst(%dma_wait3A_736 : memref<2048xf32, #tpu.memory_space<hbm>>)
        tpu.yield
      }) : () -> ()
    }
    %scan3A_35 = arith.constant 25 : i32
    return
  }
}

module attributes {stable_mosaic.version = 14 : i64} {
  func.func @_tc_expand_body(%arg0: i32, %arg1: memref<1x12800xf32, #tpu.memory_space<vmem>>, %arg2: memref<4x8x12800xf32, #tpu.memory_space<vmem>>) attributes {dimension_semantics = [#tpu.dimension_semantics<arbitrary>], iteration_bounds = array<i64: 125>, scalar_prefetch = 0 : i64, scratch_operands = 0 : i64, tpu.core_type = #tpu.core_type<tc>, window_params = [{transform_indices = @transform_0, window_bounds = array<i64: 1, 12800>}, {transform_indices = @transform_1, window_bounds = array<i64: 4, 8, 12800>}]} {
    %get3A = arith.constant 0 : index
    %get3A_0 = arith.constant 0 : index
    %get3A_1 = vector.load %arg1[%get3A, %get3A_0] : memref<1x12800xf32, #tpu.memory_space<vmem>>, vector<1x12800xf32>
    %add3A = arith.constant 9.99999996E-13 : f32
    %add3A_2 = vector.broadcast %add3A : f32 to vector<1x12800xf32>
    %add3A_3 = arith.addf %get3A_1, %add3A_2 : vector<1x12800xf32>
    %sqrt3A = math.sqrt %add3A_3 : vector<1x12800xf32>
    %lt3A = arith.constant 5.000000e+00 : f32
    %lt3A_4 = vector.broadcast %lt3A : f32 to vector<1x12800xf32>
    %lt3A_5 = arith.cmpf olt, %sqrt3A, %lt3A_4 : vector<1x12800xf32>
    %min3A = arith.constant 5.000000e+00 : f32
    %min3A_6 = vector.broadcast %min3A : f32 to vector<1x12800xf32>
    %min3A_7 = arith.minimumf %sqrt3A, %min3A_6 : vector<1x12800xf32>
    %mul3A = arith.constant 0.628318548 : f32
    %mul3A_8 = vector.broadcast %mul3A : f32 to vector<1x12800xf32>
    %mul3A_9 = arith.mulf %min3A_7, %mul3A_8 : vector<1x12800xf32>
    %cos3A = math.cos %mul3A_9 : vector<1x12800xf32>
    %add3A_10 = arith.constant 1.000000e+00 : f32
    %add3A_11 = vector.broadcast %add3A_10 : f32 to vector<1x12800xf32>
    %add3A_12 = arith.addf %cos3A, %add3A_11 : vector<1x12800xf32>
    %mul3A_13 = arith.constant 5.000000e-01 : f32
    %mul3A_14 = vector.broadcast %mul3A_13 : f32 to vector<1x12800xf32>
    %mul3A_15 = arith.mulf %mul3A_14, %add3A_12 : vector<1x12800xf32>
    %jit3A = arith.constant 0.000000e+00 : f32
    %broadcast_in_dim3A = vector.broadcast %jit3A : f32 to vector<1x12800xf32>
    %select_n3A = arith.select %lt3A_5, %mul3A_15, %broadcast_in_dim3A : vector<1x12800xi1>, vector<1x12800xf32>
    %broadcast_in_dim3A_16 = vector.shape_cast %sqrt3A : vector<1x12800xf32> to vector<1x12800xf32>
    %broadcast_in_dim3A_17 = vector.broadcast %broadcast_in_dim3A_16 : vector<1x12800xf32> to vector<8x12800xf32>
    %broadcast_in_dim3A_18 = vector.shape_cast %select_n3A : vector<1x12800xf32> to vector<1x12800xf32>
    %broadcast_in_dim3A_19 = vector.broadcast %broadcast_in_dim3A_18 : vector<1x12800xf32> to vector<8x12800xf32>
    %iota3A = tpu.iota {dimensions = array<i32: 0>} : vector<8x12800xi32>
    %convert_element_type3A = arith.sitofp %iota3A : vector<8x12800xi32> to vector<8x12800xf32>
    %mul3A_20 = arith.constant 0.714285731 : f32
    %mul3A_21 = vector.broadcast %mul3A_20 : f32 to vector<8x12800xf32>
    %mul3A_22 = arith.mulf %convert_element_type3A, %mul3A_21 : vector<8x12800xf32>
    %sub3A = arith.subf %broadcast_in_dim3A_17, %mul3A_22 : vector<8x12800xf32>
    %mul3A_23 = arith.constant -2.560000e+00 : f32
    %mul3A_24 = vector.broadcast %mul3A_23 : f32 to vector<8x12800xf32>
    %mul3A_25 = arith.mulf %mul3A_24, %sub3A : vector<8x12800xf32>
    %mul3A_26 = arith.mulf %mul3A_25, %sub3A : vector<8x12800xf32>
    %exp3A = math.exp %mul3A_26 : vector<8x12800xf32>
    %mul3A_27 = arith.mulf %exp3A, %broadcast_in_dim3A_19 : vector<8x12800xf32>
    %mul3A_28 = arith.constant 2.000000e-01 : f32
    %mul3A_29 = vector.broadcast %mul3A_28 : f32 to vector<8x12800xf32>
    %mul3A_30 = arith.mulf %broadcast_in_dim3A_17, %mul3A_29 : vector<8x12800xf32>
    %swap3A = arith.constant 0 : index
    %swap3A_31 = arith.constant 0 : index
    %swap3A_32 = arith.constant 0 : index
    %swap3A_33 = vector.load %arg2[%swap3A, %swap3A_31, %swap3A_32] : memref<4x8x12800xf32, #tpu.memory_space<vmem>>, vector<1x8x12800xf32>
    %swap3A_34 = vector.shape_cast %swap3A_33 : vector<1x8x12800xf32> to vector<8x12800xf32>
    %swap3A_35 = vector.shape_cast %mul3A_27 : vector<8x12800xf32> to vector<1x8x12800xf32>
    tpu.vector_store %arg2[%swap3A, %swap3A_31, %swap3A_32], %swap3A_35 {strides = array<i32>} : memref<4x8x12800xf32, #tpu.memory_space<vmem>>, vector<1x8x12800xf32>,
    %mul3A_36 = arith.mulf %mul3A_27, %mul3A_30 : vector<8x12800xf32>
    %swap3A_37 = arith.constant 1 : index
    %swap3A_38 = arith.constant 0 : index
    %swap3A_39 = arith.constant 0 : index
    %swap3A_40 = vector.load %arg2[%swap3A_37, %swap3A_38, %swap3A_39] : memref<4x8x12800xf32, #tpu.memory_space<vmem>>, vector<1x8x12800xf32>
    %swap3A_41 = vector.shape_cast %swap3A_40 : vector<1x8x12800xf32> to vector<8x12800xf32>
    %swap3A_42 = vector.shape_cast %mul3A_36 : vector<8x12800xf32> to vector<1x8x12800xf32>
    tpu.vector_store %arg2[%swap3A_37, %swap3A_38, %swap3A_39], %swap3A_42 {strides = array<i32>} : memref<4x8x12800xf32, #tpu.memory_space<vmem>>, vector<1x8x12800xf32>,
    %mul3A_43 = arith.mulf %mul3A_36, %mul3A_30 : vector<8x12800xf32>
    %swap3A_44 = arith.constant 2 : index
    %swap3A_45 = arith.constant 0 : index
    %swap3A_46 = arith.constant 0 : index
    %swap3A_47 = vector.load %arg2[%swap3A_44, %swap3A_45, %swap3A_46] : memref<4x8x12800xf32, #tpu.memory_space<vmem>>, vector<1x8x12800xf32>
    %swap3A_48 = vector.shape_cast %swap3A_47 : vector<1x8x12800xf32> to vector<8x12800xf32>
    %swap3A_49 = vector.shape_cast %mul3A_43 : vector<8x12800xf32> to vector<1x8x12800xf32>
    tpu.vector_store %arg2[%swap3A_44, %swap3A_45, %swap3A_46], %swap3A_49 {strides = array<i32>} : memref<4x8x12800xf32, #tpu.memory_space<vmem>>, vector<1x8x12800xf32>,
    %mul3A_50 = arith.mulf %mul3A_43, %mul3A_30 : vector<8x12800xf32>
    %swap3A_51 = arith.constant 3 : index
    %swap3A_52 = arith.constant 0 : index
    %swap3A_53 = arith.constant 0 : index
    %swap3A_54 = vector.load %arg2[%swap3A_51, %swap3A_52, %swap3A_53] : memref<4x8x12800xf32, #tpu.memory_space<vmem>>, vector<1x8x12800xf32>
    %swap3A_55 = vector.shape_cast %swap3A_54 : vector<1x8x12800xf32> to vector<8x12800xf32>
    %swap3A_56 = vector.shape_cast %mul3A_50 : vector<8x12800xf32> to vector<1x8x12800xf32>
    tpu.vector_store %arg2[%swap3A_51, %swap3A_52, %swap3A_53], %swap3A_56 {strides = array<i32>} : memref<4x8x12800xf32, #tpu.memory_space<vmem>>, vector<1x8x12800xf32>,
    return
  }
  func.func @transform_0(%arg0: i32) -> (i32, i32) {
    %c0_i32 = arith.constant 0 : i32
    %c0_i32_0 = arith.constant 0 : i32
    return %c0_i32, %arg0 : i32, i32
  }
  func.func @transform_1(%arg0: i32) -> (i32, i32, i32) {
    %c0_i32 = arith.constant 0 : i32
    %c0_i32_0 = arith.constant 0 : i32
    %c0_i32_1 = arith.constant 0 : i32
    return %c0_i32, %c0_i32_0, %arg0 : i32, i32, i32
  }
}

</mosaic_0001>

<sc_bundles>
// kernel: kernel.4.cloned.1.call-start
scs
__scs_entry_jumppad:
0x0: {  	(pc) =	sbr.rel $0x88, $3  }
0x1: {  	(tag) =	ssettag $0x0;
	lr =	simm.s32 $0x1  }
0x2: {  	[smem:$0x3F9D] =	sst lr;
	_ =	strace $0xD0000000  }
0x3: {  	_ = 	snop  }
0x4: {  	_ = 	snop  }
0x5: {  	_ = 	snop  }
0x6: {  	_ = 	snop  }
0x7: {  	_ = 	snop  }
__scs_overlays_trampoline_lowered:
0x8: {  	[smem:$0x3FAC] =	sst s0  }
0x9: {  	[smem:$0x3FAD] =	sst s1  }
0xa: {  	[smem:$0x3FAE] =	sst s2  }
0xb: {  	[smem:$0x3FAF] =	sst s3  }
0xc: {  	[smem:$0x3FB0] =	sst s4  }
0xd: {  	[smem:$0x3FB1] =	sst s5  }
0xe: {  	[smem:$0x3FB2] =	sst s6  }
0xf: {  	[smem:$0x3FB3] =	sst s7  }
0x10: {  	[smem:$0x3FB4] =	sst s8  }
0x11: {  	[smem:$0x3FB5] =	sst s9;
	s0 =	simm.s32 @!p0 $0x0  }
0x12: {  	s1 =	sld [smem:$0x3F9B];
	s0 =	simm.s32 @p0 $0x1  }
0x13: {  	[smem:$0x3FB6] =	sst s0;
	s0 =	simm.s32 @!p1 $0x0  }
0x14: {  	s2 =	sld [smem:$0x3F9A];
	s0 =	simm.s32 @p1 $0x1  }
0x15: {  	[smem:$0x3FB7] =	sst s0;
	s0 =	simm.s32 @!p2 $0x0  }
0x16: {  	s3 =	sld [smem:$0x3FDB];
	s0 =	simm.s32 @p2 $0x1  }
0x17: {  	s4 =	simm.s32 $0x1BF5;
	[smem:$0x3FB9] =	sst s0  }
0x18: {  	s0 =	sld [smem:$0x3F9C];
	_ =	swait.ge [sflag:s4], $0x0  }
0x19: {  	s7 =	sld [smem:$0x3F9D]  }
0x1a: {  	s8 =	sadd.s32 $0xFFFFE003, lr  }
0x1b: {  	s9 =	sadd.s32 $0xFFFFFEF7, lr;
	s5 =	simm.s32 $0xFFFFFFFF;
	p2 =	slt.u32 s8, $0xFFFFF086  }
0x1c: {  	p1 =	slt.u32 s9, $0xF7A;
	s5 =	simm.s32 @!p2 $0x0  }
0x1d: {  	s5 =	simm.s32 @p1 $0x1;
	p0 =	seq.s32 s7, s2  }
0x1e: {  	s7 =	smul.u32 @!p0 $0xF7A, s2;
	p2 =	seq.s32 @!p0 s5, $0x0  }
0x1f: {  	s9 =	smul.u32 $0xF7A, s1;
	s8 =	simm.s32 @!p0 $0x1BF5;
	p2 =	por !p2, p0  }
0x20: {  	[sflag:s8] =	ssyncset.s32 @!p0 $0xFFFFF086;
	s6 =	sadd.s32 @!p0 s3, s7;
	s7 =	simm.s32 @!p0 $0x108  }
0x21: {  	s3 =	sadd.s32 s3, s9;
	s6 =	sadd.s32 @!p0 $0x88, s6;
	s7 =	simm.s32 @p2 $0x1082  }
0x22: {  	[simem:s7], [sflag:s8] =	dma.local @!p0 [hbm:s6], $0xF7A  }
0x23: {  	s9 =	sor.u32 $0xD0000000, s2;
	s6 =	simm.s32 $0x108;
	_ =	swait.ge @!p0 [sflag:s8], $0x0  }
0x24: {  	s3 =	sadd.s32 $0x88, s3;
	s6 =	simm.s32 @!p1 $0x1082;
	[sflag:s4] =	ssyncset.s32 $0xFFFFF086  }
0x25: {  	[simem:s6], [sflag:s4] =	dma.local [hbm:s3], $0xF7A  }
0x26: {  	[smem:$0x3F9D] =	sst s1;
	(tag) =	ssettag s2;
	_ =	strace s9  }
0x27: {  	s1 =	sld [smem:$0x3FAD]  }
0x28: {  	s2 =	sld [smem:$0x3FAE]  }
0x29: {  	s4 =	sld [smem:$0x3FB0]  }
0x2a: {  	p0 =	seq.s32 s5, $0x0;
	s5 =	sld [smem:$0x3FB1]  }
0x2b: {  	s6 =	sld [smem:$0x3FB2]  }
0x2c: {  	s7 =	sld [smem:$0x3FB3]  }
0x2d: {  	s3 =	simm.s32 $0x108;
	s8 =	sld [smem:$0x3FB4]  }
0x2e: {  	s3 =	simm.s32 @!p0 $0x1082;
	s9 =	sld [smem:$0x3FB5]  }
0x2f: {  	lr =	sadd.s32 s0, s3;
	s0 =	sld [smem:$0x3FAC]  }
0x30: {  	s3 =	sld [smem:$0x3FAF]  }
0x31: {  	[smem:$0x3FB8] =	sst s10  }
0x32: {  	s10 =	sld [smem:$0x3FB6];
	_ =	sdelay $0x3  }
0x33: {  	p0 =	seq.s32 s10, $0x1;
	s10 =	sld [smem:$0x3FB8];
	_ =	sdelay $0x3  }
0x34: {  	[smem:$0x3FB8] =	sst s10  }
0x35: {  	s10 =	sld [smem:$0x3FB7];
	_ =	sdelay $0x3  }
0x36: {  	p1 =	seq.s32 s10, $0x1;
	s10 =	sld [smem:$0x3FB8];
	_ =	sdelay $0x3  }
0x37: {  	[smem:$0x3FB8] =	sst s10  }
0x38: {  	s10 =	sld [smem:$0x3FB9]  }
0x39: {  	_ = 	snop;
	(pc) =	sbr.ind lr, $3  }
0x3a: {  	_ = 	snop  }
0x3b: {  	_ = 	snop  }
0x3c: {  	p2 =	seq.s32 s10, $0x1;
	s10 =	sld [smem:$0x3FB8]  }
0x3d: {  	_ =	shalt  }
0x3e: {  	_ =	shalt  }
0x3f: {  	_ =	shalt  }
0x40: {  	_ =	shalt  }
0x41: {  	_ =	shalt  }
0x42: {  	_ =	shalt  }
0x43: {  	_ =	shalt  }
0x44: {  	_ =	shalt  }
0x45: {  	_ =	shalt  }
0x46: {  	_ =	shalt  }
0x47: {  	_ =	shalt  }
0x48: {  	_ =	shalt  }
0x49: {  	_ =	shalt  }
0x4a: {  	_ =	shalt  }
0x4b: {  	_ =	shalt  }
0x4c: {  	_ =	shalt  }
0x4d: {  	_ =	shalt  }
0x4e: {  	_ =	shalt  }
0x4f: {  	_ =	shalt  }
0x50: {  	_ =	shalt  }
0x51: {  	_ =	shalt  }
0x52: {  	_ =	shalt  }
0x53: {  	_ =	shalt  }
0x54: {  	_ =	shalt  }
0x55: {  	_ =	shalt  }
0x56: {  	_ =	shalt  }
0x57: {  	_ =	shalt  }
0x58: {  	_ =	shalt  }
0x59: {  	_ =	shalt  }
0x5a: {  	_ =	shalt  }
0x5b: {  	_ =	shalt  }
0x5c: {  	_ =	shalt  }
0x5d: {  	_ =	shalt  }
0x5e: {  	_ =	shalt  }
0x5f: {  	_ =	shalt  }
0x60: {  	_ =	shalt  }
0x61: {  	_ =	shalt  }
0x62: {  	_ =	shalt  }
0x63: {  	_ =	shalt  }
0x64: {  	_ =	shalt  }
0x65: {  	_ =	shalt  }
0x66: {  	_ =	shalt  }
0x67: {  	_ =	shalt  }
0x68: {  	_ =	shalt  }
0x69: {  	_ =	shalt  }
0x6a: {  	_ =	shalt  }
0x6b: {  	_ =	shalt  }
0x6c: {  	_ =	shalt  }
0x6d: {  	_ =	shalt  }
0x6e: {  	_ =	shalt  }
0x6f: {  	_ =	shalt  }
0x70: {  	_ =	shalt  }
0x71: {  	_ =	shalt  }
0x72: {  	_ =	shalt  }
0x73: {  	_ =	shalt  }
0x74: {  	_ =	shalt  }
0x75: {  	_ =	shalt  }
0x76: {  	_ =	shalt  }
0x77: {  	_ =	shalt  }
0x78: {  	_ =	shalt  }
0x79: {  	_ =	shalt  }
0x7a: {  	_ =	shalt  }
0x7b: {  	_ =	shalt  }
0x7c: {  	_ =	shalt  }
0x7d: {  	_ =	shalt  }
0x7e: {  	_ =	shalt  }
0x7f: {  	_ =	shalt  }
0x80: {  	_ =	shalt  }
0x81: {  	_ =	shalt  }
0x82: {  	_ =	shalt  }
0x83: {  	_ =	shalt  }
0x84: {  	_ =	shalt  }
0x85: {  	_ =	shalt  }
0x86: {  	_ =	shalt  }
0x87: {  	_ =	shalt  }
.Lfunc_end0:
.L_simem_size_0:
called_computation_lowered:
.L_overlay_start_0:
0x88: {  	s2 =	sld [smem:$0x3FD9]  }
0x89: {  	s3 =	sld [smem:$0x3FFE];
	_ =	sdelay $0x1  }
0x8a: {  	s1 =	srdreg.scid  }
0x8b: {  	s0 =	sand.u32 $0x1, s1  }
0x8c: {  	s17 =	sshll.u32 s0, $0xA;
	s2 =	sadd.s32 s3, s2  }
0x8d: {  	s2 =	sadd.s32 s2, s17  }
0x8e: {  	[smem:$0x3FC4] =	sst s2  }
0x8f: {  	_ = 	snop  }
0x90: {  	s2 =	sld [smem:$0x3FD0];
	(tm) =	ssettm $0x1  }
0x91: {  	s18 =	sld [smem:$0x3FFB];
	_ =	sdelay $0x3  }
0x92: {  	_ =	strace s18  }
0x93: {  	s3 =	sld [smem:$0x3FFC];
	_ =	sdelay $0x3  }
0x94: {  	_ =	strace s3  }
0x95: {  	s3 =	sld [smem:$0x3FFD];
	_ =	sdelay $0x3  }
0x96: {  	_ =	strace s3  }
0x97: {  	_ =	strace $0x8FFFFFFF  }
0x98: {  	s19 =	sld [smem:$0x3FDB];
	_ =	sdelay $0x1  }
0x99: {  	s4 =	simm.s32 $_scs_section_size  }
0x9a: {  	s5 =	simm.s32 $_size__tile_overlayer_lowered;
	s6 =	simm.s32 $_tile_overlayer_lowered  }
0x9b: {  	s22 =	simm.s32 $0x1BFF;
	s21 =	sshll.u32 s6, $0x1;
	s3 =	sadd.s32 s4, s19  }
0x9c: {  	s7 =	simm.s32 $0x0;
	s20 =	sshll.u32 s5, $0x1;
	s5 =	sadd.s32 s21, s3  }
0x9d: {  	[timem:s7], [sflag:s22] =	dma.local [hbm:s5], s20  }
0x9e: {  	_ =	swait.ge [sflag:s22], s20  }
0x9f: {  	s4 =	ssub.s32 $0x0, s20;
	[sflag:s22] =	ssyncset.done $0x0  }
0xa0: {  	[sflag:s22] =	ssyncadd.s32 s4;
	_ =	sdelay $0x1  }
0xa1: {  	s23 =	simm.s32 $0x1B8B  }
0xa2: {  	_ =	swait.ge [sflag:s23], $0x1  }
0xa3: {  	[sflag:s23] =	ssyncset.done $0x0  }
0xa4: {  	s25 =	simm.s32 $0x1B8E;
	s24 =	sld [smem:$0x3FFE];
	[sflag:s23] =	ssyncadd.s32 $0xFFFFFFFF  }
0xa5: {  	s26 =	simm.s32 $execute0_lowered;
	[smem:$0x3FD2] =	sst s25  }
0xa6: {  	s5 =	sshll.u32 s26, $0x1;
	_ =	strace $0x80000046;
	[dreg:$0x1] =	wrdreg $0xFFFFFFFF  }
0xa7: {  	s28 =	simm.s32 $_size_execute0_lowered;
	s3 =	sadd.s32 s3, s5;
	[dreg:$0x0] =	wrdreg $0x0  }
0xa8: {  	s5 =	sshll.u32 s28, $0x1;
	[dreg:$0x2] =	wrdreg s3  }
0xa9: {  	[dreg:$0x3] =	wrdreg s5  }
0xaa: {  	[dreg:$0x4] =	wrdreg $0xC0  }
0xab: {  	_ =	task [dreg:s7], $0x5FFFF  }
0xac: {  	[dreg:$0x1] =	wrdreg $0xFFFFFFFF  }
0xad: {  	[dreg:$0x0] =	wrdreg $0x60  }
0xae: {  	[dreg:$0x2] =	wrdreg s24  }
0xaf: {  	[dreg:$0x3] =	wrdreg s2  }
0xb0: {  	[dreg:$0x4] =	wrdreg $0x9  }
0xb1: {  	_ =	task.clear_ibuf [dreg:s7], $0x5FFFF;
	_ =	strace $0x90000046  }
0xb2: {  	s29 =	simm.s32 $0x9;
	_ =	strace $0x80000048  }
0xb3: {  	_ =	swait.ge [sflag:s29], $0x1  }
0xb4: {  	[sflag:s29] =	ssyncadd.s32 $0xFFFFFFFF  }
0xb5: {  	_ =	strace $0x90000048  }
0xb6: {  	_ =	sfence  }
0xb7: {  	s30 =	sld [smem:$0x0];
	_ =	sdelay $0x2  }
0xb8: {  	s31 =	sshll.u32 s1, $0xD;
	s1 =	sshrl.u32 s1, $0x2  }
0xb9: {  	s3 =	sand.u32 $0x4000, s31;
	s1 =	sadd.s32 s1, s30  }
0xba: {  	s0 =	sor.u32 s3, s0;
	s1 =	sshll.u32 s1, $0x11  }
0xbb: {  	s0 =	sor.u32 s1, s0  }
0xbc: {  	s0 =	sadd.s32 $0x8F2B, s0  }
0xbd: {  	[sflag:s0] =	ssyncadd.remote.s32 $0x1  }
0xbe: {  	_ =	sfence.sel $0xFFFF  }
0xbf: {  	[dreg:$0x0] =	wrdreg $0xFFFFFFFF;
	(pc) =	sbr.abs _section_cstart, $3  }
0xc0: {  	[dreg:$0x1] =	wrdreg $0xFFFFFFFF  }
0xc1: {  	_ =	task.clear_ibuf [dreg:s7], $0x2FFFF;
	_ =	strace $0x9FFFFFFF  }
0xc2: {  	(tm) =	ssettm $0x7FFFFFFF  }
0xc3: {  	_ =	shalt  }
tec
execute0_lowered:
.L_overlay_start_1:
0x0: {  	(tag) =	ssettag $0x1  }
0x1: {  	s4 =	rddreg [dreg:$0x0]  }
0x2: {  	s0 =	simm.s32 $0x0;
	s26 =	srdreg.scid;
	s3 =	stileid.u32  }
0x3: {  	s14 =	simm.s32 $0x1;
	s15 =	simm.s32 $0x800;
	s16 =	simm.s32 $0x80  }
0x4: {  	s17 =	simm.s32 $0x1000;
	s18 =	simm.s32 $0x9000;
	s30 =	simm.s32 $0xF800  }
0x5: {  	s31 =	simm.s32 $0x700;
	s13 =	simm.s32 $0x10000;
	s11 =	simm.s32 $0x780  }
0x6: {  	s12 =	simm.s32 $0x8800;
	s19 =	simm.s32 $0x12800;
	s20 =	simm.s32 $0x3  }
0x7: {  	s22 =	simm.s32 $0x0;
	[smem:$0x7FF] =	sst s0;
	s5 =	sadd.s32 $0xFA000, s4  }
0x8: {  	s6 =	sadd.s32 $0x32000, s4;
	s0 =	sand.u32 $0x1, s26;
	s7 =	sadd.s32 $0xC8000, s4  }
0x9: {  	s8 =	sadd.s32 $0x96000, s4;
	s3 =	sshll.u32 s3, $0x1;
	s9 =	sadd.s32 $0x64000, s4  }
0xa: {  	s28 =	sadd.s32 $0x1126A0, s4;
	s4 =	simm.s32 $0xF00;
	s1 =	ssub.s32 $0x2, s0  }
0xb: {  	_ =	strace $0x80000047;
	s0 =	sor.u32 s0, s3;
	s2 =	sshrl.u32 s1, $0x1  }
0xc: {  	[dreg:$0x3] =	wrdreg s28;
	s3 =	simm.s32 $0x2;
	s1 =	ssub.s32 s1, s2  }
0xd: {  	v0 =	vlaneseq.u32;
	s10 =	smul.u32 $0xC800, s0;
	s0 =	simm.s32 $0x8000;
	s29 =	smax.u32 s1, $0x1  }
0xe: {  	v0 =	vmul.u32 $0x10, v0;
	s2 =	simm.s32 $0xF80;
	s1 =	simm.s32 $0x10800;
	[dreg:$0x4] =	wrdreg s29  }
.LBB2_1:
0xf: {  	[dreg:$0x5] =	wrdreg s22  }
0x10: {  	s21 =	simm.s32 $0x0;
	s29 =	rddreg [dreg:$0x3];
	s23 =	simm.s32 $0x13000  }
0x11: {  	[tilespmem:s23], [sflag:$0x1] =	stream.linear.gather [hbm4b:s29+s21], $0x10, $0x38;
	[tilespmem:$0x13010] =	vst v63  }
0x12: {  	_ =	swait.ge [sflag:s14], $0x10  }
0x13: {  	[sflag:s14] =	ssyncset.done $0x0  }
0x14: {  	[sflag:s14] =	ssyncadd.s32 $0xFFFFFFF0  }
0x15: {  	v9 =	vld [tilespmem:$0x13000];
	_ =	sdelay $0x4  }
0x16: {  	v1 =	vbroadcast v9, $0x0  }
0x17: {  	v2 =	vbroadcast v9, $0x3;
	v3 =	vbroadcast v9, $0x6  }
0x18: {  	v4 =	vbroadcast v9, $0x1;
	v5 =	vbroadcast v9, $0x4  }
0x19: {  	v6 =	vbroadcast v9, $0x7;
	v7 =	vbroadcast v9, $0x2  }
0x1a: {  	s21 =	simm.s32 $0x0;
	v8 =	vbroadcast v9, $0x5;
	v9 =	vbroadcast v9, $0x8  }
.LBB2_2:
0x1b: {  	s22 =	sshll.u32 s21, $0xB  }
0x1c: {  	s22 =	sadd.s32 s10, s22  }
0x1d: {  	s22 =	sshrl.u32 s22, $0x3  }
0x1e: {  	s25 =	simm.s32 $0x0;
	s26 =	rddreg [dreg:$0x0];
	s23 =	sadd.s32 s6, s22  }
0x1f: {  	[tilespmem:s25], [sflag:$0x1] =	stream.linear.gather [hbm4b:s23+s25], $0x800, $0x38;
	[tilespmem:$0x13010] =	vst v63  }
0x20: {  	s23 =	sadd.s32 s26, s22  }
0x21: {  	[tilespmem:s15], [sflag:$0x1] =	stream.linear.gather [hbm4b:s23+s25], $0x800, $0x38;
	[tilespmem:$0x13010] =	vst v63  }
0x22: {  	s24 =	sadd.s32 s7, s22;
	s23 =	simm.s32 $0x11000  }
0x23: {  	[tilespmem:s23], [sflag:$0x1] =	stream.linear.gather [hbm4b:s24+s25], $0x800, $0x38;
	[tilespmem:$0x13010] =	vst v63  }
0x24: {  	s26 =	sadd.s32 s8, s22;
	s24 =	simm.s32 $0x11800  }
0x25: {  	[tilespmem:s24], [sflag:$0x1] =	stream.linear.gather [hbm4b:s26+s25], $0x800, $0x38;
	[tilespmem:$0x13010] =	vst v63  }
0x26: {  	s28 =	sadd.s32 s9, s22;
	s26 =	simm.s32 $0x12000  }
0x27: {  	[tilespmem:s26], [sflag:$0x1] =	stream.linear.gather [hbm4b:s28+s25], $0x800, $0x38;
	[tilespmem:$0x13010] =	vst v63  }
0x28: {  	_ =	swait.ge [sflag:s14], $0x800  }
0x29: {  	[sflag:s14] =	ssyncset.done $0x0  }
0x2a: {  	[sflag:s14] =	ssyncadd.s32 $0xFFFFF800  }
0x2b: {  	_ =	swait.ge [sflag:s14], $0x800  }
0x2c: {  	[sflag:s14] =	ssyncset.done $0x0  }
0x2d: {  	[sflag:s14] =	ssyncadd.s32 $0xFFFFF800  }
0x2e: {  	_ =	swait.ge [sflag:s14], $0x800  }
0x2f: {  	[sflag:s14] =	ssyncset.done $0x0  }
0x30: {  	[sflag:s14] =	ssyncadd.s32 $0xFFFFF800  }
0x31: {  	_ =	swait.ge [sflag:s14], $0x800  }
0x32: {  	[sflag:s14] =	ssyncset.done $0x0  }
0x33: {  	[sflag:s14] =	ssyncadd.s32 $0xFFFFF800  }
0x34: {  	_ =	swait.ge [sflag:s14], $0x800  }
0x35: {  	[sflag:s14] =	ssyncset.done $0x0  }
0x36: {  	[sflag:s14] =	ssyncadd.s32 $0xFFFFF800  }
0x37: {  	[tilespmem:s17], [sflag:$0x2] =	stream.indirect.gather [hbm4b:s5+s16], $0x10, s25, s16, $0xb8;
	[tilespmem:$0x13010] =	vst v63  }
0x38: {  	_ = 	snop  }
0x39: {  	[tilespmem:s18], [sflag:$0x2] =	stream.indirect.gather [hbm4b:s5+s16], $0x10, s15, s16, $0xb8;
	[tilespmem:$0x13010] =	vst v63  }
0x3a: {  	s28 =	simm.s32 $0x1800  }
0x3b: {  	[tilespmem:s28], [sflag:$0x2] =	stream.indirect.gather [hbm4b:s5+s16], $0x10, s16, s16, $0xb8;
	[tilespmem:$0x13010] =	vst v63  }
0x3c: {  	s29 =	simm.s32 $0x9800;
	s28 =	simm.s32 $0x880  }
0x3d: {  	[tilespmem:s29], [sflag:$0x2] =	stream.indirect.gather [hbm4b:s5+s16], $0x10, s28, s16, $0xb8;
	[tilespmem:$0x13010] =	vst v63  }
0x3e: {  	s28 =	simm.s32 $0x100;
	s29 =	simm.s32 $0x2000  }
0x3f: {  	[tilespmem:s29], [sflag:$0x2] =	stream.indirect.gather [hbm4b:s5+s16], $0x10, s28, s16, $0xb8;
	[tilespmem:$0x13010] =	vst v63  }
0x40: {  	s28 =	simm.s32 $0x900;
	s29 =	simm.s32 $0xA000  }
0x41: {  	[tilespmem:s29], [sflag:$0x2] =	stream.indirect.gather [hbm4b:s5+s16], $0x10, s28, s16, $0xb8;
	[tilespmem:$0x13010] =	vst v63  }
0x42: {  	s28 =	simm.s32 $0x180;
	s29 =	simm.s32 $0x2800  }
0x43: {  	[tilespmem:s29], [sflag:$0x2] =	stream.indirect.gather [hbm4b:s5+s16], $0x10, s28, s16, $0xb8;
	[tilespmem:$0x13010] =	vst v63  }
0x44: {  	s28 =	simm.s32 $0x980;
	s29 =	simm.s32 $0xA800  }
0x45: {  	[tilespmem:s29], [sflag:$0x2] =	stream.indirect.gather [hbm4b:s5+s16], $0x10, s28, s16, $0xb8;
	[tilespmem:$0x13010] =	vst v63  }
0x46: {  	s28 =	simm.s32 $0x200;
	s29 =	simm.s32 $0x3000  }
0x47: {  	[tilespmem:s29], [sflag:$0x2] =	stream.indirect.gather [hbm4b:s5+s16], $0x10, s28, s16, $0xb8;
	[tilespmem:$0x13010] =	vst v63  }
0x48: {  	s28 =	simm.s32 $0xA00;
	s29 =	simm.s32 $0xB000  }
0x49: {  	[tilespmem:s29], [sflag:$0x2] =	stream.indirect.gather [hbm4b:s5+s16], $0x10, s28, s16, $0xb8;
	[tilespmem:$0x13010] =	vst v63  }
0x4a: {  	s28 =	simm.s32 $0x280;
	s29 =	simm.s32 $0x3800  }
0x4b: {  	[tilespmem:s29], [sflag:$0x2] =	stream.indirect.gather [hbm4b:s5+s16], $0x10, s28, s16, $0xb8;
	[tilespmem:$0x13010] =	vst v63  }
0x4c: {  	s28 =	simm.s32 $0xA80;
	s29 =	simm.s32 $0xB800  }
0x4d: {  	[tilespmem:s29], [sflag:$0x2] =	stream.indirect.gather [hbm4b:s5+s16], $0x10, s28, s16, $0xb8;
	[tilespmem:$0x13010] =	vst v63  }
0x4e: {  	s28 =	simm.s32 $0x300;
	s29 =	simm.s32 $0x4000  }
0x4f: {  	[tilespmem:s29], [sflag:$0x2] =	stream.indirect.gather [hbm4b:s5+s16], $0x10, s28, s16, $0xb8;
	[tilespmem:$0x13010] =	vst v63  }
0x50: {  	s28 =	simm.s32 $0xB00;
	s29 =	simm.s32 $0xC000  }
0x51: {  	[tilespmem:s29], [sflag:$0x2] =	stream.indirect.gather [hbm4b:s5+s16], $0x10, s28, s16, $0xb8;
	[tilespmem:$0x13010] =	vst v63  }
0x52: {  	s28 =	simm.s32 $0x380;
	s29 =	simm.s32 $0x4800  }
0x53: {  	[tilespmem:s29], [sflag:$0x2] =	stream.indirect.gather [hbm4b:s5+s16], $0x10, s28, s16, $0xb8;
	[tilespmem:$0x13010] =	vst v63  }
0x54: {  	s28 =	simm.s32 $0xB80;
	s29 =	simm.s32 $0xC800  }
0x55: {  	[tilespmem:s29], [sflag:$0x2] =	stream.indirect.gather [hbm4b:s5+s16], $0x10, s28, s16, $0xb8;
	[tilespmem:$0x13010] =	vst v63  }
0x56: {  	s28 =	simm.s32 $0x400;
	s29 =	simm.s32 $0x5000  }
0x57: {  	[tilespmem:s29], [sflag:$0x2] =	stream.indirect.gather [hbm4b:s5+s16], $0x10, s28, s16, $0xb8;
	[tilespmem:$0x13010] =	vst v63  }
0x58: {  	s28 =	simm.s32 $0xC00;
	s29 =	simm.s32 $0xD000  }
0x59: {  	[tilespmem:s29], [sflag:$0x2] =	stream.indirect.gather [hbm4b:s5+s16], $0x10, s28, s16, $0xb8;
	[tilespmem:$0x13010] =	vst v63  }
0x5a: {  	s28 =	simm.s32 $0x480;
	s29 =	simm.s32 $0x5800  }
0x5b: {  	[tilespmem:s29], [sflag:$0x2] =	stream.indirect.gather [hbm4b:s5+s16], $0x10, s28, s16, $0xb8;
	[tilespmem:$0x13010] =	vst v63  }
0x5c: {  	s28 =	simm.s32 $0xC80;
	s29 =	simm.s32 $0xD800  }
0x5d: {  	[tilespmem:s29], [sflag:$0x2] =	stream.indirect.gather [hbm4b:s5+s16], $0x10, s28, s16, $0xb8;
	[tilespmem:$0x13010] =	vst v63  }
0x5e: {  	s28 =	simm.s32 $0x500;
	s29 =	simm.s32 $0x6000  }
0x5f: {  	[tilespmem:s29], [sflag:$0x2] =	stream.indirect.gather [hbm4b:s5+s16], $0x10, s28, s16, $0xb8;
	[tilespmem:$0x13010] =	vst v63  }
0x60: {  	s28 =	simm.s32 $0xD00;
	s29 =	simm.s32 $0xE000  }
0x61: {  	[tilespmem:s29], [sflag:$0x2] =	stream.indirect.gather [hbm4b:s5+s16], $0x10, s28, s16, $0xb8;
	[tilespmem:$0x13010] =	vst v63  }
0x62: {  	s28 =	simm.s32 $0x580;
	s29 =	simm.s32 $0x6800  }
0x63: {  	[tilespmem:s29], [sflag:$0x2] =	stream.indirect.gather [hbm4b:s5+s16], $0x10, s28, s16, $0xb8;
	[tilespmem:$0x13010] =	vst v63  }
0x64: {  	s28 =	simm.s32 $0xD80;
	s29 =	simm.s32 $0xE800  }
0x65: {  	[tilespmem:s29], [sflag:$0x2] =	stream.indirect.gather [hbm4b:s5+s16], $0x10, s28, s16, $0xb8;
	[tilespmem:$0x13010] =	vst v63  }
0x66: {  	s28 =	simm.s32 $0x600;
	s29 =	simm.s32 $0x7000  }
0x67: {  	[tilespmem:s29], [sflag:$0x2] =	stream.indirect.gather [hbm4b:s5+s16], $0x10, s28, s16, $0xb8;
	[tilespmem:$0x13010] =	vst v63  }
0x68: {  	s28 =	simm.s32 $0xE00;
	s29 =	simm.s32 $0xF000  }
0x69: {  	[tilespmem:s29], [sflag:$0x2] =	stream.indirect.gather [hbm4b:s5+s16], $0x10, s28, s16, $0xb8;
	[tilespmem:$0x13010] =	vst v63  }
0x6a: {  	s28 =	simm.s32 $0x680;
	s29 =	simm.s32 $0x7800  }
0x6b: {  	[tilespmem:s29], [sflag:$0x2] =	stream.indirect.gather [hbm4b:s5+s16], $0x10, s28, s16, $0xb8;
	[tilespmem:$0x13010] =	vst v63  }
0x6c: {  	s28 =	simm.s32 $0xE80  }
0x6d: {  	[tilespmem:s30], [sflag:$0x2] =	stream.indirect.gather [hbm4b:s5+s16], $0x10, s28, s16, $0xb8;
	[tilespmem:$0x13010] =	vst v63  }
0x6e: {  	_ = 	snop  }
0x6f: {  	[tilespmem:s0], [sflag:$0x2] =	stream.indirect.gather [hbm4b:s5+s16], $0x10, s31, s16, $0xb8;
	[tilespmem:$0x13010] =	vst v63  }
0x70: {  	_ = 	snop  }
0x71: {  	[tilespmem:s13], [sflag:$0x2] =	stream.indirect.gather [hbm4b:s5+s16], $0x10, s4, s16, $0xb8;
	[tilespmem:$0x13010] =	vst v63  }
0x72: {  	_ = 	snop  }
0x73: {  	[tilespmem:s12], [sflag:$0x2] =	stream.indirect.gather [hbm4b:s5+s16], $0x10, s11, s16, $0xb8;
	[tilespmem:$0x13010] =	vst v63  }
0x74: {  	_ = 	snop  }
0x75: {  	[tilespmem:s1], [sflag:$0x2] =	stream.indirect.gather [hbm4b:s5+s16], $0x10, s2, s16, $0xb8;
	[tilespmem:$0x13010] =	vst v63  }
0x76: {  	_ =	swait.ge [sflag:s3], $0x800  }
0x77: {  	[sflag:s3] =	ssyncset.done $0x0  }
0x78: {  	[sflag:s3] =	ssyncadd.s32 $0xFFFFF800  }
0x79: {  	_ =	swait.ge [sflag:s3], $0x800  }
0x7a: {  	[sflag:s3] =	ssyncset.done $0x0  }
0x7b: {  	[sflag:s3] =	ssyncadd.s32 $0xFFFFF800  }
0x7c: {  	_ =	swait.ge [sflag:s3], $0x800  }
0x7d: {  	[sflag:s3] =	ssyncset.done $0x0  }
0x7e: {  	[sflag:s3] =	ssyncadd.s32 $0xFFFFF800  }
0x7f: {  	_ =	swait.ge [sflag:s3], $0x800  }
0x80: {  	[sflag:s3] =	ssyncset.done $0x0  }
0x81: {  	[sflag:s3] =	ssyncadd.s32 $0xFFFFF800  }
0x82: {  	_ =	swait.ge [sflag:s3], $0x800  }
0x83: {  	[sflag:s3] =	ssyncset.done $0x0  }
0x84: {  	[sflag:s3] =	ssyncadd.s32 $0xFFFFF800  }
0x85: {  	_ =	swait.ge [sflag:s3], $0x800  }
0x86: {  	[sflag:s3] =	ssyncset.done $0x0  }
0x87: {  	[sflag:s3] =	ssyncadd.s32 $0xFFFFF800  }
0x88: {  	_ =	swait.ge [sflag:s3], $0x800  }
0x89: {  	[sflag:s3] =	ssyncset.done $0x0  }
0x8a: {  	[sflag:s3] =	ssyncadd.s32 $0xFFFFF800  }
0x8b: {  	_ =	swait.ge [sflag:s3], $0x800  }
0x8c: {  	[sflag:s3] =	ssyncset.done $0x0  }
0x8d: {  	[sflag:s3] =	ssyncadd.s32 $0xFFFFF800  }
0x8e: {  	_ =	swait.ge [sflag:s3], $0x800  }
0x8f: {  	[sflag:s3] =	ssyncset.done $0x0  }
0x90: {  	[sflag:s3] =	ssyncadd.s32 $0xFFFFF800  }
0x91: {  	_ =	swait.ge [sflag:s3], $0x800  }
0x92: {  	[sflag:s3] =	ssyncset.done $0x0  }
0x93: {  	[sflag:s3] =	ssyncadd.s32 $0xFFFFF800  }
0x94: {  	_ =	swait.ge [sflag:s3], $0x800  }
0x95: {  	[sflag:s3] =	ssyncset.done $0x0  }
0x96: {  	[sflag:s3] =	ssyncadd.s32 $0xFFFFF800  }
0x97: {  	_ =	swait.ge [sflag:s3], $0x800  }
0x98: {  	[sflag:s3] =	ssyncset.done $0x0  }
0x99: {  	[sflag:s3] =	ssyncadd.s32 $0xFFFFF800  }
0x9a: {  	_ =	swait.ge [sflag:s3], $0x800  }
0x9b: {  	[sflag:s3] =	ssyncset.done $0x0  }
0x9c: {  	[sflag:s3] =	ssyncadd.s32 $0xFFFFF800  }
0x9d: {  	_ =	swait.ge [sflag:s3], $0x800  }
0x9e: {  	[sflag:s3] =	ssyncset.done $0x0  }
0x9f: {  	[sflag:s3] =	ssyncadd.s32 $0xFFFFF800  }
0xa0: {  	_ =	swait.ge [sflag:s3], $0x800  }
0xa1: {  	[sflag:s3] =	ssyncset.done $0x0  }
0xa2: {  	[sflag:s3] =	ssyncadd.s32 $0xFFFFF800  }
0xa3: {  	_ =	swait.ge [sflag:s3], $0x800  }
0xa4: {  	[sflag:s3] =	ssyncset.done $0x0  }
0xa5: {  	[sflag:s3] =	ssyncadd.s32 $0xFFFFF800  }
0xa6: {  	_ =	swait.ge [sflag:s3], $0x800  }
0xa7: {  	[sflag:s3] =	ssyncset.done $0x0  }
0xa8: {  	[sflag:s3] =	ssyncadd.s32 $0xFFFFF800  }
0xa9: {  	_ =	swait.ge [sflag:s3], $0x800  }
0xaa: {  	[sflag:s3] =	ssyncset.done $0x0  }
0xab: {  	[sflag:s3] =	ssyncadd.s32 $0xFFFFF800  }
0xac: {  	_ =	swait.ge [sflag:s3], $0x800  }
0xad: {  	[sflag:s3] =	ssyncset.done $0x0  }
0xae: {  	[sflag:s3] =	ssyncadd.s32 $0xFFFFF800  }
0xaf: {  	_ =	swait.ge [sflag:s3], $0x800  }
0xb0: {  	[sflag:s3] =	ssyncset.done $0x0  }
0xb1: {  	[sflag:s3] =	ssyncadd.s32 $0xFFFFF800  }
0xb2: {  	_ =	swait.ge [sflag:s3], $0x800  }
0xb3: {  	[sflag:s3] =	ssyncset.done $0x0  }
0xb4: {  	[sflag:s3] =	ssyncadd.s32 $0xFFFFF800  }
0xb5: {  	_ =	swait.ge [sflag:s3], $0x800  }
0xb6: {  	[sflag:s3] =	ssyncset.done $0x0  }
0xb7: {  	[sflag:s3] =	ssyncadd.s32 $0xFFFFF800  }
0xb8: {  	_ =	swait.ge [sflag:s3], $0x800  }
0xb9: {  	[sflag:s3] =	ssyncset.done $0x0  }
0xba: {  	[sflag:s3] =	ssyncadd.s32 $0xFFFFF800  }
0xbb: {  	_ =	swait.ge [sflag:s3], $0x800  }
0xbc: {  	[sflag:s3] =	ssyncset.done $0x0  }
0xbd: {  	[sflag:s3] =	ssyncadd.s32 $0xFFFFF800  }
0xbe: {  	_ =	swait.ge [sflag:s3], $0x800  }
0xbf: {  	[sflag:s3] =	ssyncset.done $0x0  }
0xc0: {  	[sflag:s3] =	ssyncadd.s32 $0xFFFFF800  }
0xc1: {  	_ =	swait.ge [sflag:s3], $0x800  }
0xc2: {  	[sflag:s3] =	ssyncset.done $0x0  }
0xc3: {  	[sflag:s3] =	ssyncadd.s32 $0xFFFFF800  }
0xc4: {  	_ =	swait.ge [sflag:s3], $0x800  }
0xc5: {  	[sflag:s3] =	ssyncset.done $0x0  }
0xc6: {  	[sflag:s3] =	ssyncadd.s32 $0xFFFFF800  }
0xc7: {  	_ =	swait.ge [sflag:s3], $0x800  }
0xc8: {  	[sflag:s3] =	ssyncset.done $0x0  }
0xc9: {  	[sflag:s3] =	ssyncadd.s32 $0xFFFFF800  }
0xca: {  	_ =	swait.ge [sflag:s3], $0x800  }
0xcb: {  	[sflag:s3] =	ssyncset.done $0x0  }
0xcc: {  	[sflag:s3] =	ssyncadd.s32 $0xFFFFF800  }
0xcd: {  	_ =	swait.ge [sflag:s3], $0x800  }
0xce: {  	[sflag:s3] =	ssyncset.done $0x0  }
0xcf: {  	[sflag:s3] =	ssyncadd.s32 $0xFFFFF800  }
0xd0: {  	_ =	swait.ge [sflag:s3], $0x800  }
0xd1: {  	[sflag:s3] =	ssyncset.done $0x0  }
0xd2: {  	[sflag:s3] =	ssyncadd.s32 $0xFFFFF800  }
0xd3: {  	v10 =	vmov s25;
	_ =	swait.ge [sflag:s3], $0x800  }
0xd4: {  	v10 =	vshll.u32 v10, $0x4;
	[sflag:s3] =	ssyncset.done $0x0  }
0xd5: {  	v10 =	vor.u32 v0, v10;
	[sflag:s3] =	ssyncadd.s32 $0xFFFFF800  }
0xd6: {  	v11 =	vld [tilespmem:s26+$0x0]  }
0xd7: {  	v12 =	vor.u32 $0x1, v10;
	v13 =	vld [tilespmem:s23+$0x0]  }
0xd8: {  	v14 =	vld [tilespmem:s24+$0x0]  }
0xd9: {  	v15 =	vor.u32 $0x2, v10  }
0xda: {  	v16 =	vld.idx.msk [tilespmem:v10+s18+$0x0], $0xffff  }
0xdb: {  	v10 =	vld.idx.msk [tilespmem:v10+s17+$0x0], $0xffff;
	v11 =	vcvt.s32.f32 v11  }
0xdc: {  	v17 =	vld.idx.msk [tilespmem:v12+s17+$0x0], $0xffff;
	v13 =	vcvt.s32.f32 v13  }
0xdd: {  	v12 =	vld.idx.msk [tilespmem:v12+s18+$0x0], $0xffff;
	v14 =	vcvt.s32.f32 v14;
	v18 =	vmul.f32 v11, v3  }
0xde: {  	v19 =	vld.idx.msk [tilespmem:v15+s17+$0x0], $0xffff;
	v20 =	vmul.f32 v13, v1;
	v21 =	vmul.f32 v13, v4  }
0xdf: {  	v15 =	vld.idx.msk [tilespmem:v15+s18+$0x0], $0xffff;
	v22 =	vmul.f32 v14, v2;
	v23 =	vmul.f32 v14, v5  }
0xe0: {  	v10 =	vsub.f32 v16, v10;
	v13 =	vmul.f32 v13, v7;
	v14 =	vmul.f32 v14, v8  }
0xe1: {  	v60 =	vmul.f32 v11, v6;
	v58 =	vadd.f32 v22, v20;
	v59 =	vadd.f32 v23, v21  }
0xe2: {  	v12 =	vsub.f32 v12, v17;
	v11 =	vmul.f32 v11, v9;
	v13 =	vadd.f32 v14, v13  }
0xe3: {  	v61 =	vadd.f32 v18, v58;
	v62 =	vadd.f32 v60, v59  }
0xe4: {  	v15 =	vsub.f32 v15, v19;
	v11 =	vadd.f32 v11, v13  }
0xe5: {  	v10 =	vadd.f32 v61, v10;
	v12 =	vadd.f32 v62, v12;
	_ =	sdelay $0x1  }
0xe6: {  	v11 =	vadd.f32 v11, v15;
	v10 =	vmul.f32 v10, v10;
	v12 =	vmul.f32 v12, v12;
	_ =	sdelay $0x1  }
0xe7: {  	v11 =	vmul.f32 v11, v11;
	v10 =	vadd.f32 v12, v10  }
0xe8: {  	s29 =	simm.s32 $0x10  }
0xe9: {  	v63 =	vmov s29;
	v11 =	vadd.f32 v10, v11  }
0xea: {  	s25 =	simm.s32 $0x12800;
	v10 =	vshll.u32 v63, $0x4  }
0xeb: {  	s28 =	simm.s32 $0x12010;
	s26 =	simm.s32 $0x20;
	v10 =	vor.u32 v0, v10;
	[tilespmem:s25+$0x0] =	vst v11  }
.LBB2_3:
0xec: {  	p0 =	sne.s32 s26, $0x7F0;
	v11 =	vor.u32 $0x1, v10;
	v12 =	vld [tilespmem:s28+$0x0];
	s23 =	sadd.s32 $0x10, s23  }
0xed: {  	s24 =	sadd.s32 $0x10, s24;
	v13 =	vld [tilespmem:s23+$0x0]  }
0xee: {  	v14 =	vor.u32 $0x2, v10;
	v15 =	vld [tilespmem:s24+$0x0]  }
0xef: {  	v16 =	vld.idx.msk [tilespmem:v10+s18+$0x0], $0xffff  }
0xf0: {  	v10 =	vld.idx.msk [tilespmem:v10+s17+$0x0], $0xffff  }
0xf1: {  	v17 =	vld.idx.msk [tilespmem:v11+s17+$0x0], $0xffff;
	v12 =	vcvt.s32.f32 v12  }
0xf2: {  	v11 =	vld.idx.msk [tilespmem:v11+s18+$0x0], $0xffff;
	v13 =	vcvt.s32.f32 v13  }
0xf3: {  	v18 =	vld.idx.msk [tilespmem:v14+s17+$0x0], $0xffff;
	v15 =	vcvt.s32.f32 v15;
	v19 =	vmul.f32 v12, v3  }
0xf4: {  	v14 =	vld.idx.msk [tilespmem:v14+s18+$0x0], $0xffff;
	v20 =	vmul.f32 v13, v1;
	v21 =	vmul.f32 v13, v4  }
0xf5: {  	v22 =	vmul.f32 v15, v2;
	v23 =	vmul.f32 v15, v5  }
0xf6: {  	v13 =	vmul.f32 v13, v7;
	v10 =	vsub.f32 v16, v10;
	v15 =	vmul.f32 v15, v8  }
0xf7: {  	v16 =	vadd.f32 v22, v20;
	v20 =	vadd.f32 v23, v21;
	v21 =	vmul.f32 v12, v6  }
0xf8: {  	v11 =	vsub.f32 v11, v17;
	v13 =	vadd.f32 v15, v13;
	v12 =	vmul.f32 v12, v9  }
0xf9: {  	v15 =	vadd.f32 v19, v16;
	v16 =	vadd.f32 v21, v20  }
0xfa: {  	v14 =	vsub.f32 v14, v18;
	v12 =	vadd.f32 v12, v13  }
0xfb: {  	v10 =	vadd.f32 v15, v10;
	v11 =	vadd.f32 v16, v11;
	_ =	sdelay $0x1  }
0xfc: {  	v12 =	vadd.f32 v12, v14;
	v10 =	vmul.f32 v10, v10;
	v11 =	vmul.f32 v11, v11;
	_ =	sdelay $0x1  }
.Ltmp0:
0xfd: {  	v10 =	vadd.f32 v11, v10;
	v11 =	vmul.f32 v12, v12;
	(pc) =	sbr.rel @p0 .LBB2_3-.Ltmp0, $4  }
0xfe: {  	v12 =	vmov s26  }
0xff: {  	v12 =	vshll.u32 v12, $0x4;
	v11 =	vadd.f32 v10, v11  }
0x100: {  	s25 =	sadd.s32 $0x10, s25;
	v10 =	vor.u32 v0, v12  }
0x101: {  	s28 =	sadd.s32 $0x10, s28;
	s26 =	sadd.s32 $0x10, s26;
	[tilespmem:s25+$0x0] =	vst v11  }
0x102: {  	v11 =	vld [tilespmem:s28+$0x0];
	s23 =	sadd.s32 $0x10, s23  }
0x103: {  	v12 =	vor.u32 $0x1, v10;
	s24 =	sadd.s32 $0x10, s24;
	v13 =	vld [tilespmem:s23+$0x0]  }
0x104: {  	v14 =	vld [tilespmem:s24+$0x0]  }
0x105: {  	v15 =	vor.u32 $0x2, v10  }
0x106: {  	v16 =	vld.idx.msk [tilespmem:v10+s18+$0x0], $0xffff  }
0x107: {  	v10 =	vld.idx.msk [tilespmem:v10+s17+$0x0], $0xffff;
	v11 =	vcvt.s32.f32 v11  }
0x108: {  	v17 =	vld.idx.msk [tilespmem:v12+s17+$0x0], $0xffff;
	v13 =	vcvt.s32.f32 v13  }
0x109: {  	v12 =	vld.idx.msk [tilespmem:v12+s18+$0x0], $0xffff;
	v14 =	vcvt.s32.f32 v14;
	v18 =	vmul.f32 v11, v3  }
0x10a: {  	v19 =	vld.idx.msk [tilespmem:v15+s17+$0x0], $0xffff;
	v20 =	vmul.f32 v13, v1;
	v21 =	vmul.f32 v13, v4  }
0x10b: {  	v15 =	vld.idx.msk [tilespmem:v15+s18+$0x0], $0xffff;
	v22 =	vmul.f32 v14, v2;
	v23 =	vmul.f32 v14, v5  }
0x10c: {  	v10 =	vsub.f32 v16, v10;
	v13 =	vmul.f32 v13, v7;
	v14 =	vmul.f32 v14, v8  }
0x10d: {  	v61 =	vmul.f32 v11, v6;
	v59 =	vadd.f32 v22, v20;
	v60 =	vadd.f32 v23, v21  }
0x10e: {  	v11 =	vmul.f32 v11, v9;
	v12 =	vsub.f32 v12, v17;
	v13 =	vadd.f32 v14, v13  }
0x10f: {  	v62 =	vadd.f32 v18, v59;
	v63 =	vadd.f32 v61, v60  }
0x110: {  	v15 =	vsub.f32 v15, v19;
	v11 =	vadd.f32 v11, v13  }
0x111: {  	v10 =	vadd.f32 v62, v10;
	v12 =	vadd.f32 v63, v12;
	_ =	sdelay $0x1  }
0x112: {  	v11 =	vadd.f32 v11, v15;
	v10 =	vmul.f32 v10, v10;
	v12 =	vmul.f32 v12, v12;
	_ =	sdelay $0x1  }
0x113: {  	v11 =	vmul.f32 v11, v11;
	v10 =	vadd.f32 v12, v10;
	_ =	sdelay $0x1  }
0x114: {  	s21 =	sadd.s32 $0x1, s21;
	v10 =	vadd.f32 v10, v11  }
0x115: {  	s26 =	sadd.s32 $0x10, s25;
	s28 =	rddreg [dreg:$0x1];
	p0 =	sne.s32 s21, $0x19  }
.Ltmp1:
0x116: {  	s29 =	simm.s32 $0x0;
	s22 =	sadd.s32 s28, s22;
	[tilespmem:s26+$0x0] =	vst v10;
	(pc) =	sbr.rel @p0 .LBB2_2-.Ltmp1, $4  }
0x117: {  	[hbm4b:s22+s29] =	stream.linear.scatter [tilespmem:s19], [sflag:$0x3], $0x800, $0x38;
	[tilespmem:$0x13010] =	vst v63  }
0x118: {  	_ =	swait.ge [sflag:s20], $0x800  }
0x119: {  	[sflag:s20] =	ssyncset.done $0x0  }
0x11a: {  	[sflag:s20] =	ssyncadd.s32 $0xFFFFF800  }
0x11b: {  	s22 =	rddreg [dreg:$0x5]  }
0x11c: {  	s21 =	rddreg [dreg:$0x4];
	s22 =	sadd.s32 $0x1, s22  }
0x11d: {  	p0 =	sne.s32 s22, s21  }
.Ltmp2:
0x11e: {  	_ = 	snop;
	(pc) =	sbr.rel @p0 .LBB2_1-.Ltmp2, $1  }
0x11f: {  	_ =	sdelay $0x3  }
0x120: {  	_ =	sfence.sel $0x180000  }
0x121: {  	[bflag:$0x0] =	sbarrier.arrive $0xFFFF  }
0x122: {  	_ =	strace $0x90000047  }
0x123: {  	s0 =	stileid.u32;
	[bflag:$0x2] =	sbarrier.arrive $0xFFFF  }
0x124: {  	p0 =	sne.s32 s0, $0x0;
	s0 =	rddreg [dreg:$0x2]  }
0x125: {  	s0 =	sadd.s32 @!p0 $0x100000, s0  }
0x126: {  	[sflag:s0] =	ssyncadd.tile.s32 @!p0 $0x1;
	_ =	shalt  }
.Lfunc_end2:
_tile_overlayer_lowered:
.L_overlay_start_2:
0x127: {  	(tag) =	ssettag $0x2  }
0x128: {  	s0 =	rddreg [dreg:$0x0];
	s2 =	stileid.u32  }
0x129: {  	s1 =	rddreg [dreg:$0x1];
	p0 =	sne.s32 s2, $0x0  }
0x12a: {  	s3 =	rddreg [dreg:$0x2];
	[bflag:$0x3] =	sbarrier.arrive $0xFFFF;
	s2 =	simm.s32 @!p0 $0x1C03  }
0x12b: {  	[timem:s3], [sflag:s2] =	dma.local @!p0 [hbm:s0], s1  }
0x12c: {  	s0 =	simm.s32 @!p0 $0x3  }
0x12d: {  	_ =	swait.ge @!p0 [sflag:s0], s1  }
0x12e: {  	s1 =	ssub.s32 @!p0 $0x0, s1;
	[sflag:s0] =	ssyncset.done @!p0 $0x0  }
0x12f: {  	[sflag:s0] =	ssyncadd.s32 @!p0 s1  }
0x130: {  	[bflag:$0x3] =	sbarrier.arrive $0xFFFF  }
0x131: {  	_ =	shalt  }

</sc_bundles>
